<compile_context>
chip_gen: v7x
topology: tpu7x:2x2x1
jax: 0.10.2.dev20260603
libtpu: 0.0.44.dev20260713+nightly
codegen_flags: <defaults>
</compile_context>

<pallas_src>
import functools

import jax
import jax.numpy as jnp
from jax import lax
from jax.experimental import pallas as pl
from jax.experimental.pallas import tpu as pltpu
from jax.experimental.pallas import tpu_sc as plsc

NC = 2
NS = 16
NW = NC * NS

CSUB = 40
SUB = 5
CHUNK = CSUB * SUB


def _table_body(w_ref, x_ref, o_ref):
    o_ref[...] = lax.dot_general(
        x_ref[...], w_ref[0],
        (((1,), (1,)), ((), ())),
        preferred_element_type=jnp.float32,
    )[None]


def _final_body(f_ref, c_ref, d_ref, wd_ref, wn_ref, b_ref, o_ref):
    s = f_ref[0] + f_ref[1]
    cnt = c_ref[0] + c_ref[1]
    hn = s / jnp.maximum(cnt, 1.0)
    o = lax.dot_general(d_ref[...], wd_ref[...], (((1,), (1,)), ((), ())),
                        preferred_element_type=jnp.float32)
    o += lax.dot_general(hn, wn_ref[...], (((1,), (1,)), ((), ())),
                         preferred_element_type=jnp.float32)
    o_ref[...] = jnp.maximum(o + b_ref[...], 0.0)


def _gidx_body(n_src, s_ref, r_ref, o_ref):
    o_ref[...] = r_ref[...] * n_src + s_ref[...]


def _sc_body(n_pad, e_per_w, tab, gidxi, dsti, zf,
             feat_out, cnt_out,
             gidx_v, dst_v, rows_v, ones_v, zbuf_v, sem, sem_i, sem_s,
             feat_acc, cnt_acc):
    cid = lax.axis_index("c")
    sid = lax.axis_index("s")
    wid = sid * NC + cid
    rows_per_tile = n_pad // NS
    nchunk = e_per_w // CHUNK

    for k in range(3):
        ones_v[pl.ds(k * 16, 16)] = jnp.ones((16,), jnp.float32)

    def zfill(k, _):
        zbuf_v[pl.ds(k * 16, 16)] = jnp.zeros((16,), jnp.float32)
        return _
    lax.fori_loop(0, zbuf_v.shape[0] // 16, zfill, None)

    r0 = sid * rows_per_tile
    pltpu.sync_copy(zf.at[pl.ds(r0, rows_per_tile)],
                    feat_acc.at[pl.ds(r0, rows_per_tile)])
    pltpu.sync_copy(zbuf_v.at[pl.ds(0, rows_per_tile)],
                    cnt_acc.at[pl.ds(r0, rows_per_tile)])
    plsc.subcore_barrier()

    def chunk(ch, _):
        e0 = wid * e_per_w + ch * CHUNK
        idescs = []
        for j in range(SUB):
            idescs.append(pltpu.async_copy(
                gidxi.at[pl.ds(e0 + j * CSUB, CSUB)], gidx_v.at[j], sem_i))
            idescs.append(pltpu.async_copy(
                dsti.at[pl.ds(e0 + j * CSUB, CSUB)], dst_v.at[j], sem_i))
        for d in idescs:
            d.wait()

        descs = []
        for j in range(SUB):
            descs.append(pltpu.async_copy(
                tab.at[gidx_v.at[j]],
                rows_v.at[pl.ds(j * CSUB, CSUB)], sem))
        for d in descs:
            d.wait()
        sdescs = []
        for j in range(SUB):
            sdescs.append(pltpu.async_copy(
                rows_v.at[pl.ds(j * CSUB, CSUB)],
                feat_acc.at[dst_v.at[j]], sem_s, add=True))
            sdescs.append(pltpu.async_copy(
                ones_v.at[pl.ds(0, CSUB)],
                cnt_acc.at[dst_v.at[j]], sem_s, add=True))
        for d in sdescs:
            d.wait()
        return _

    lax.fori_loop(0, nchunk, chunk, None)
    plsc.subcore_barrier()

    pltpu.sync_copy(feat_acc.at[pl.ds(r0, rows_per_tile)],
                    feat_out.at[cid, pl.ds(r0, rows_per_tile)])
    pltpu.sync_copy(cnt_acc.at[pl.ds(r0, rows_per_tile)],
                    cnt_out.at[pl.ds(cid * n_pad + r0, rows_per_tile)])


def kernel(src_features, dst_features, edge_index, rating, W_r, W_weight, W_bias):
    n_src, d = src_features.shape
    n_dst = dst_features.shape[0]
    e = rating.shape[0]
    r = W_r.shape[0]

    src_idx = edge_index[0].astype(jnp.int32)
    dst_idx = edge_index[1].astype(jnp.int32)
    rat = rating.astype(jnp.int32)

    bn = min(2000, n_src)
    table = pl.pallas_call(
        _table_body,
        grid=(r, n_src // bn),
        in_specs=[
            pl.BlockSpec((1, d, d), lambda ri, bi: (ri, 0, 0)),
            pl.BlockSpec((bn, d), lambda ri, bi: (bi, 0)),
        ],
        out_specs=pl.BlockSpec((1, bn, d), lambda ri, bi: (ri, bi, 0)),
        out_shape=jax.ShapeDtypeStruct((r, n_src, d), jnp.float32),
    )(W_r, src_features)
    table = table.reshape(r * n_src, d)

    ecols = 128
    erows = e // ecols
    gidx = pl.pallas_call(
        functools.partial(_gidx_body, n_src),
        grid=(1,),
        in_specs=[
            pl.BlockSpec((erows, ecols), lambda bi: (0, 0)),
            pl.BlockSpec((erows, ecols), lambda bi: (0, 0)),
        ],
        out_specs=pl.BlockSpec((erows, ecols), lambda bi: (0, 0)),
        out_shape=jax.ShapeDtypeStruct((erows, ecols), jnp.int32),
    )(src_idx.reshape(erows, ecols), rat.reshape(erows, ecols))
    gidx = gidx.reshape(e)

    e_per_w = e // NW
    n_pad = ((n_dst + 1023) // 1024) * 1024
    zf = jnp.zeros((n_pad, d), jnp.float32)

    mesh = plsc.VectorSubcoreMesh(core_axis_name="c", subcore_axis_name="s")
    sc_fn = pl.kernel(
        functools.partial(_sc_body, n_pad, e_per_w),
        out_type=(
            jax.ShapeDtypeStruct((NC, n_pad, d), jnp.float32),
            jax.ShapeDtypeStruct((NC * n_pad,), jnp.float32),
        ),
        mesh=mesh,
        scratch_types=[
            pltpu.VMEM((SUB, CSUB), jnp.int32),
            pltpu.VMEM((SUB, CSUB), jnp.int32),
            pltpu.VMEM((CHUNK, d), jnp.float32),
            pltpu.VMEM((48,), jnp.float32),
            pltpu.VMEM((640,), jnp.float32),
            pltpu.SemaphoreType.DMA,
            pltpu.SemaphoreType.DMA,
            pltpu.SemaphoreType.DMA,
            pltpu.VMEM_SHARED((n_pad, d), jnp.float32),
            pltpu.VMEM_SHARED((n_pad,), jnp.float32),
        ],
    )
    feat_p, cnt_p = sc_fn(table, gidx, dst_idx, zf)
    cnt_p = cnt_p.reshape(NC, n_pad, 1)

    wd = W_weight[:, :d]
    wn = W_weight[:, d:]
    bias = W_bias.reshape(1, d)
    bf = 1024
    dst_pad = jnp.pad(dst_features, ((0, n_pad - n_dst), (0, 0)))
    out = pl.pallas_call(
        _final_body,
        grid=(n_pad // bf,),
        in_specs=[
            pl.BlockSpec((NC, bf, d), lambda bi: (0, bi, 0)),
            pl.BlockSpec((NC, bf, 1), lambda bi: (0, bi, 0)),
            pl.BlockSpec((bf, d), lambda bi: (bi, 0)),
            pl.BlockSpec((d, d), lambda bi: (0, 0)),
            pl.BlockSpec((d, d), lambda bi: (0, 0)),
            pl.BlockSpec((1, d), lambda bi: (0, 0)),
        ],
        out_specs=pl.BlockSpec((bf, d), lambda bi: (bi, 0)),
        out_shape=jax.ShapeDtypeStruct((n_pad, d), jnp.float32),
    )(feat_p, cnt_p, dst_pad, wd, wn, bias)
    return out[:n_dst]

# --- scband reference (transcript-rebuilt; emitter-appended) ---
"""Pipeline reference for scband-gcmcconv-68049461838610 (READ-ONLY COPY).

The authoritative reference and input builder live on the scoring server;
editing this copy changes nothing except your own understanding.
"""

import jax, jax.numpy as jnp
import numpy as np

N_SRC = 10000
N_DST = 10000
E = 320000
D = 128
NUM_RATINGS = 5


def setup_inputs(seed: int = 0) -> dict:
    key = jax.random.key(seed)
    ks = jax.random.split(key, 8)
    src_features = jax.random.normal(ks[0], (N_SRC, D), dtype=jnp.float32)
    dst_features = jax.random.normal(ks[1], (N_DST, D), dtype=jnp.float32)
    edge_src = jax.random.randint(ks[2], (E,), 0, N_SRC)
    edge_dst = jax.random.randint(ks[3], (E,), 0, N_DST)
    edge_index = jnp.stack([edge_src, edge_dst], axis=0)
    rating = jax.random.randint(ks[4], (E,), 0, NUM_RATINGS + 1)
    # Learned parameters (per __init__): W_r ~ randn, W = Linear(2D -> D)
    W_r = jax.random.normal(ks[5], (NUM_RATINGS + 1, D, D), dtype=jnp.float32)
    bound = 1.0 / np.sqrt(2 * D)
    W_weight = jax.random.uniform(ks[6], (D, 2 * D), minval=-bound, maxval=bound, dtype=jnp.float32)
    W_bias = jax.random.uniform(ks[7], (D,), minval=-bound, maxval=bound, dtype=jnp.float32)
    return {
        'src_features': src_features,
        'dst_features': dst_features,
        'edge_index': edge_index,
        'rating': rating,
        'W_r': W_r,
        'W_weight': W_weight,
        'W_bias': W_bias,
    }


def reference(src_features, dst_features, edge_index, rating, W_r, W_weight, W_bias):
    src_idx = edge_index[0]
    dst_idx = edge_index[1]
    # Per-edge message m_e = W_r[rating_e] @ h_src_e.
    # Mathematically equivalent: precompute W_r[r] @ h for every (rating, node),
    # then gather by (rating_e, src_e). Avoids materializing [E, D, D].
    transformed = jnp.einsum('rij,nj->rni', W_r, src_features)  # [R+1, N_SRC, D]
    m = transformed[rating, src_idx]  # [E, D]
    # update_all(copy_e, mean): mean of incoming edge messages per dst node (0 if no in-edges)
    sums = jax.ops.segment_sum(m, dst_idx, num_segments=N_DST)
    counts = jax.ops.segment_sum(jnp.ones((E, 1), dtype=m.dtype), dst_idx, num_segments=N_DST)
    h_neigh = sums / jnp.maximum(counts, 1.0)
    h_cat = jnp.concatenate([dst_features, h_neigh], axis=1)  # [N_DST, 2D]
    result = jax.nn.relu(h_cat @ W_weight.T + W_bias)
    return result

if __name__ == "__main__":
    import jax
    _d = setup_inputs()
    print(jax.jit(kernel)(*tuple(_d.values())))

</pallas_src>

<mosaic_0001>
#map = affine_map<(d0, d1) -> (0, 0)>
#map1 = affine_map<(d0, d1) -> (0)>
#map2 = affine_map<(d0, d1) -> (0, 0, 0)>
module attributes {stable_mosaic.version = 14 : i64} {
  func.func @_sc_body(%arg0: i32, %arg1: i32, %arg2: memref<60000x128xf32, #tpu.memory_space<hbm>>, %arg3: memref<320000xi32, #tpu.memory_space<hbm>>, %arg4: memref<320000xi32, #tpu.memory_space<hbm>>, %arg5: memref<10240x128xf32, #tpu.memory_space<hbm>>, %arg6: memref<2x10240x128xf32, #tpu.memory_space<hbm>>, %arg7: memref<20480xf32, #tpu.memory_space<hbm>>, %arg8: memref<5x40xi32, #tpu.memory_space<vmem>>, %arg9: memref<5x40xi32, #tpu.memory_space<vmem>>, %arg10: memref<200x128xf32, #tpu.memory_space<vmem>>, %arg11: memref<48xf32, #tpu.memory_space<vmem>>, %arg12: memref<640xf32, #tpu.memory_space<vmem>>, %arg13: memref<!tpu.dma_semaphore, #tpu.memory_space<semaphore_mem>>, %arg14: memref<!tpu.dma_semaphore, #tpu.memory_space<semaphore_mem>>, %arg15: memref<!tpu.dma_semaphore, #tpu.memory_space<semaphore_mem>>, %arg16: memref<10240x128xf32, #tpu.memory_space<vmem_shared>>, %arg17: memref<10240xf32, #tpu.memory_space<vmem_shared>>) attributes {dimension_semantics = [#tpu.dimension_semantics<core_parallel>, #tpu.dimension_semantics<subcore_parallel>], iteration_bounds = array<i64: 2, 16>, scalar_prefetch = 0 : i64, scratch_operands = 10 : i64, tpu.core_type = #tpu.core_type<sc_vector_subcore>, window_params = [{transform_indices = #map}, {transform_indices = #map1}, {transform_indices = #map1}, {transform_indices = #map}, {transform_indices = #map2}, {transform_indices = #map1}]} {
    %mul3A = arith.constant 2 : i32
    %mul3A_0 = arith.muli %arg1, %mul3A : i32
    %add3A = arith.addi %mul3A_0, %arg0 : i32
    %broadcast_in_dim3A = arith.constant 1.000000e+00 : f32
    %broadcast_in_dim3A_1 = vector.broadcast %broadcast_in_dim3A : f32 to vector<16xf32>
    %swap3A = arith.constant 0 : index
    %swap3A_2 = tpu.vector_load %arg11[%swap3A] {strides = array<i32>} : memref<48xf32, #tpu.memory_space<vmem>>, vector<16xf32>,
    %swap3A_3 = vector.shape_cast %swap3A_2 : vector<16xf32> to vector<16xf32>
    %swap3A_4 = vector.shape_cast %broadcast_in_dim3A_1 : vector<16xf32> to vector<16xf32>
    tpu.vector_store %arg11[%swap3A], %swap3A_4 {strides = array<i32>} : memref<48xf32, #tpu.memory_space<vmem>>, vector<16xf32>,
    %broadcast_in_dim3A_5 = arith.constant 1.000000e+00 : f32
    %broadcast_in_dim3A_6 = vector.broadcast %broadcast_in_dim3A_5 : f32 to vector<16xf32>
    %swap3A_7 = arith.constant 16 : index
    %swap3A_8 = tpu.vector_load %arg11[%swap3A_7] {strides = array<i32>} : memref<48xf32, #tpu.memory_space<vmem>>, vector<16xf32>,
    %swap3A_9 = vector.shape_cast %swap3A_8 : vector<16xf32> to vector<16xf32>
    %swap3A_10 = vector.shape_cast %broadcast_in_dim3A_6 : vector<16xf32> to vector<16xf32>
    tpu.vector_store %arg11[%swap3A_7], %swap3A_10 {strides = array<i32>} : memref<48xf32, #tpu.memory_space<vmem>>, vector<16xf32>,
    %broadcast_in_dim3A_11 = arith.constant 1.000000e+00 : f32
    %broadcast_in_dim3A_12 = vector.broadcast %broadcast_in_dim3A_11 : f32 to vector<16xf32>
    %swap3A_13 = arith.constant 32 : index
    %swap3A_14 = tpu.vector_load %arg11[%swap3A_13] {strides = array<i32>} : memref<48xf32, #tpu.memory_space<vmem>>, vector<16xf32>,
    %swap3A_15 = vector.shape_cast %swap3A_14 : vector<16xf32> to vector<16xf32>
    %swap3A_16 = vector.shape_cast %broadcast_in_dim3A_12 : vector<16xf32> to vector<16xf32>
    tpu.vector_store %arg11[%swap3A_13], %swap3A_16 {strides = array<i32>} : memref<48xf32, #tpu.memory_space<vmem>>, vector<16xf32>,
    %scan3A = arith.constant 0 : i32
    %scan3A_17 = arith.constant 40 : i32
    %scan3A_18 = arith.addi %scan3A, %scan3A_17 : i32
    %scan3A_19 = arith.constant 1 : i32
    scf.for %scan3A_32 = %scan3A to %scan3A_18 step %scan3A_19  : i32 {
      %broadcast_in_dim3A_33 = arith.constant 0.000000e+00 : f32
      %broadcast_in_dim3A_34 = vector.broadcast %broadcast_in_dim3A_33 : f32 to vector<16xf32>
      %mul3A_35 = arith.constant 16 : i32
      %mul3A_36 = arith.muli %scan3A_32, %mul3A_35 : i32
      %swap3A_37 = arith.index_cast %mul3A_36 : i32 to index
      %swap3A_38 = tpu.vector_load %arg12[%swap3A_37] {strides = array<i32>} : memref<640xf32, #tpu.memory_space<vmem>>, vector<16xf32>,
      %swap3A_39 = vector.shape_cast %swap3A_38 : vector<16xf32> to vector<16xf32>
      %swap3A_40 = vector.shape_cast %broadcast_in_dim3A_34 : vector<16xf32> to vector<16xf32>
      tpu.vector_store %arg12[%swap3A_37], %swap3A_40 {strides = array<i32>} : memref<640xf32, #tpu.memory_space<vmem>>, vector<16xf32>,
    }
    %scan3A_20 = arith.constant 40 : i32
    %mul3A_21 = arith.constant 640 : i32
    %mul3A_22 = arith.muli %arg1, %mul3A_21 : i32
    "tpu.region"() ({
      %run_scoped3A = tpu.sem_alloc : memref<!tpu.dma_semaphore, #tpu.memory_space<semaphore_mem>>
      %dma_start3A = arith.constant 0 : i32
      %dma_start3A_32 = tpu.memref_slice %arg16[%mul3A_22, %dma_start3A] : memref<10240x128xf32, #tpu.memory_space<vmem_shared>> -> memref<640x128xf32, #tpu.memory_space<vmem_shared>>
      %dma_start3A_33 = arith.constant 0 : i32
      %dma_start3A_34 = tpu.memref_slice %arg5[%mul3A_22, %dma_start3A_33] : memref<10240x128xf32, #tpu.memory_space<hbm>> -> memref<640x128xf32, #tpu.memory_space<hbm>>
      tpu.enqueue_dma source(%dma_start3A_34 : memref<640x128xf32, #tpu.memory_space<hbm>>) target(%dma_start3A_32 : memref<640x128xf32, #tpu.memory_space<vmem_shared>>) target_semaphore(%run_scoped3A : memref<!tpu.dma_semaphore, #tpu.memory_space<semaphore_mem>>)
      %dma_wait3A = arith.constant 0 : i32
      %dma_wait3A_35 = tpu.memref_slice %arg16[%mul3A_22, %dma_wait3A] : memref<10240x128xf32, #tpu.memory_space<vmem_shared>> -> memref<640x128xf32, #tpu.memory_space<vmem_shared>>
      %dma_wait3A_36 = arith.constant 0 : i32
      %dma_wait3A_37 = tpu.memref_slice %arg5[%mul3A_22, %dma_wait3A_36] : memref<10240x128xf32, #tpu.memory_space<hbm>> -> memref<640x128xf32, #tpu.memory_space<hbm>>
      tpu.wait_dma2 semaphore(%run_scoped3A : memref<!tpu.dma_semaphore, #tpu.memory_space<semaphore_mem>>) src(%dma_wait3A_37 : memref<640x128xf32, #tpu.memory_space<hbm>>) dst(%dma_wait3A_35 : memref<640x128xf32, #tpu.memory_space<vmem_shared>>)
      tpu.yield
    }) : () -> ()
    "tpu.region"() ({
      %run_scoped3A = tpu.sem_alloc : memref<!tpu.dma_semaphore, #tpu.memory_space<semaphore_mem>>
      %dma_start3A = arith.constant 0 : i32
      %dma_start3A_32 = tpu.memref_slice %arg12[%dma_start3A] : memref<640xf32, #tpu.memory_space<vmem>> -> memref<640xf32, #tpu.memory_space<vmem>>
      %dma_start3A_33 = tpu.memref_slice %arg17[%mul3A_22] : memref<10240xf32, #tpu.memory_space<vmem_shared>> -> memref<640xf32, #tpu.memory_space<vmem_shared>>
      %dma_start3A_34 = tpu.memref_slice %arg17[%mul3A_22] : memref<10240xf32, #tpu.memory_space<vmem_shared>> -> memref<640xf32, #tpu.memory_space<vmem_shared>>
      %dma_start3A_35 = arith.constant 0 : i32
      %dma_start3A_36 = tpu.memref_slice %arg12[%dma_start3A_35] : memref<640xf32, #tpu.memory_space<vmem>> -> memref<640xf32, #tpu.memory_space<vmem>>
      tpu.enqueue_dma source(%dma_start3A_36 : memref<640xf32, #tpu.memory_space<vmem>>) target(%dma_start3A_34 : memref<640xf32, #tpu.memory_space<vmem_shared>>) target_semaphore(%run_scoped3A : memref<!tpu.dma_semaphore, #tpu.memory_space<semaphore_mem>>)
      %dma_wait3A = arith.constant 0 : i32
      %dma_wait3A_37 = tpu.memref_slice %arg12[%dma_wait3A] : memref<640xf32, #tpu.memory_space<vmem>> -> memref<640xf32, #tpu.memory_space<vmem>>
      %dma_wait3A_38 = tpu.memref_slice %arg17[%mul3A_22] : memref<10240xf32, #tpu.memory_space<vmem_shared>> -> memref<640xf32, #tpu.memory_space<vmem_shared>>
      %dma_wait3A_39 = tpu.memref_slice %arg17[%mul3A_22] : memref<10240xf32, #tpu.memory_space<vmem_shared>> -> memref<640xf32, #tpu.memory_space<vmem_shared>>
      %dma_wait3A_40 = arith.constant 0 : i32
      %dma_wait3A_41 = tpu.memref_slice %arg12[%dma_wait3A_40] : memref<640xf32, #tpu.memory_space<vmem>> -> memref<640xf32, #tpu.memory_space<vmem>>
      tpu.wait_dma2 semaphore(%run_scoped3A : memref<!tpu.dma_semaphore, #tpu.memory_space<semaphore_mem>>) src(%dma_wait3A_41 : memref<640xf32, #tpu.memory_space<vmem>>) dst(%dma_wait3A_39 : memref<640xf32, #tpu.memory_space<vmem_shared>>)
      tpu.yield
    }) : () -> ()
    %barrier3A = arith.constant 0 : index
    tpu.barrier barrier_id(%barrier3A)
    %scan3A_23 = arith.constant 0 : i32
    %scan3A_24 = arith.constant 50 : i32
    %scan3A_25 = arith.addi %scan3A_23, %scan3A_24 : i32
    %scan3A_26 = arith.constant 1 : i32
    scf.for %scan3A_32 = %scan3A_23 to %scan3A_25 step %scan3A_26  : i32 {
      %mul3A_33 = arith.constant 10000 : i32
      %mul3A_34 = arith.muli %add3A, %mul3A_33 : i32
      %mul3A_35 = arith.constant 200 : i32
      %mul3A_36 = arith.muli %scan3A_32, %mul3A_35 : i32
      %add3A_37 = arith.addi %mul3A_34, %mul3A_36 : i32
      %add3A_38 = arith.constant 0 : i32
      %add3A_39 = arith.addi %add3A_37, %add3A_38 : i32
      %dma_start3A = arith.constant 0 : i32
      %dma_start3A_40 = arith.constant 0 : i32
      %dma_start3A_41 = tpu.memref_slice %arg8[%dma_start3A, %dma_start3A_40] : memref<5x40xi32, #tpu.memory_space<vmem>> -> memref<1x40xi32, #tpu.memory_space<vmem>>
      %dma_start3A_42 = tpu.memref_squeeze %dma_start3A_41 : memref<1x40xi32, #tpu.memory_space<vmem>> -> memref<40xi32, #tpu.memory_space<vmem>>
      %dma_start3A_43 = tpu.memref_slice %arg3[%add3A_39] : memref<320000xi32, #tpu.memory_space<hbm>> -> memref<40xi32, #tpu.memory_space<hbm>>
      %dma_start3A_44 = arith.constant 0 : i32
      %dma_start3A_45 = tpu.memref_slice %arg8[%dma_start3A, %dma_start3A_44] : memref<5x40xi32, #tpu.memory_space<vmem>> -> memref<1x40xi32, #tpu.memory_space<vmem>>
      %dma_start3A_46 = tpu.memref_squeeze %dma_start3A_45 : memref<1x40xi32, #tpu.memory_space<vmem>> -> memref<40xi32, #tpu.memory_space<vmem>>
      %dma_start3A_47 = tpu.memref_slice %arg3[%add3A_39] : memref<320000xi32, #tpu.memory_space<hbm>> -> memref<40xi32, #tpu.memory_space<hbm>>
      tpu.enqueue_dma source(%dma_start3A_47 : memref<40xi32, #tpu.memory_space<hbm>>) target(%dma_start3A_46 : memref<40xi32, #tpu.memory_space<vmem>>) target_semaphore(%arg14 : memref<!tpu.dma_semaphore, #tpu.memory_space<semaphore_mem>>)
      %add3A_48 = arith.constant 0 : i32
      %add3A_49 = arith.addi %add3A_37, %add3A_48 : i32
      %dma_start3A_50 = arith.constant 0 : i32
      %dma_start3A_51 = arith.constant 0 : i32
      %dma_start3A_52 = tpu.memref_slice %arg9[%dma_start3A_50, %dma_start3A_51] : memref<5x40xi32, #tpu.memory_space<vmem>> -> memref<1x40xi32, #tpu.memory_space<vmem>>
      %dma_start3A_53 = tpu.memref_squeeze %dma_start3A_52 : memref<1x40xi32, #tpu.memory_space<vmem>> -> memref<40xi32, #tpu.memory_space<vmem>>
      %dma_start3A_54 = tpu.memref_slice %arg4[%add3A_49] : memref<320000xi32, #tpu.memory_space<hbm>> -> memref<40xi32, #tpu.memory_space<hbm>>
      %dma_start3A_55 = arith.constant 0 : i32
      %dma_start3A_56 = tpu.memref_slice %arg9[%dma_start3A_50, %dma_start3A_55] : memref<5x40xi32, #tpu.memory_space<vmem>> -> memref<1x40xi32, #tpu.memory_space<vmem>>
      %dma_start3A_57 = tpu.memref_squeeze %dma_start3A_56 : memref<1x40xi32, #tpu.memory_space<vmem>> -> memref<40xi32, #tpu.memory_space<vmem>>
      %dma_start3A_58 = tpu.memref_slice %arg4[%add3A_49] : memref<320000xi32, #tpu.memory_space<hbm>> -> memref<40xi32, #tpu.memory_space<hbm>>
      tpu.enqueue_dma source(%dma_start3A_58 : memref<40xi32, #tpu.memory_space<hbm>>) target(%dma_start3A_57 : memref<40xi32, #tpu.memory_space<vmem>>) target_semaphore(%arg14 : memref<!tpu.dma_semaphore, #tpu.memory_space<semaphore_mem>>)
      %add3A_59 = arith.constant 40 : i32
      %add3A_60 = arith.addi %add3A_37, %add3A_59 : i32
      %dma_start3A_61 = arith.constant 1 : i32
      %dma_start3A_62 = arith.constant 0 : i32
      %dma_start3A_63 = tpu.memref_slice %arg8[%dma_start3A_61, %dma_start3A_62] : memref<5x40xi32, #tpu.memory_space<vmem>> -> memref<1x40xi32, #tpu.memory_space<vmem>>
      %dma_start3A_64 = tpu.memref_squeeze %dma_start3A_63 : memref<1x40xi32, #tpu.memory_space<vmem>> -> memref<40xi32, #tpu.memory_space<vmem>>
      %dma_start3A_65 = tpu.memref_slice %arg3[%add3A_60] : memref<320000xi32, #tpu.memory_space<hbm>> -> memref<40xi32, #tpu.memory_space<hbm>>
      %dma_start3A_66 = arith.constant 0 : i32
      %dma_start3A_67 = tpu.memref_slice %arg8[%dma_start3A_61, %dma_start3A_66] : memref<5x40xi32, #tpu.memory_space<vmem>> -> memref<1x40xi32, #tpu.memory_space<vmem>>
      %dma_start3A_68 = tpu.memref_squeeze %dma_start3A_67 : memref<1x40xi32, #tpu.memory_space<vmem>> -> memref<40xi32, #tpu.memory_space<vmem>>
      %dma_start3A_69 = tpu.memref_slice %arg3[%add3A_60] : memref<320000xi32, #tpu.memory_space<hbm>> -> memref<40xi32, #tpu.memory_space<hbm>>
      tpu.enqueue_dma source(%dma_start3A_69 : memref<40xi32, #tpu.memory_space<hbm>>) target(%dma_start3A_68 : memref<40xi32, #tpu.memory_space<vmem>>) target_semaphore(%arg14 : memref<!tpu.dma_semaphore, #tpu.memory_space<semaphore_mem>>)
      %add3A_70 = arith.constant 40 : i32
      %add3A_71 = arith.addi %add3A_37, %add3A_70 : i32
      %dma_start3A_72 = arith.constant 1 : i32
      %dma_start3A_73 = arith.constant 0 : i32
      %dma_start3A_74 = tpu.memref_slice %arg9[%dma_start3A_72, %dma_start3A_73] : memref<5x40xi32, #tpu.memory_space<vmem>> -> memref<1x40xi32, #tpu.memory_space<vmem>>
      %dma_start3A_75 = tpu.memref_squeeze %dma_start3A_74 : memref<1x40xi32, #tpu.memory_space<vmem>> -> memref<40xi32, #tpu.memory_space<vmem>>
      %dma_start3A_76 = tpu.memref_slice %arg4[%add3A_71] : memref<320000xi32, #tpu.memory_space<hbm>> -> memref<40xi32, #tpu.memory_space<hbm>>
      %dma_start3A_77 = arith.constant 0 : i32
      %dma_start3A_78 = tpu.memref_slice %arg9[%dma_start3A_72, %dma_start3A_77] : memref<5x40xi32, #tpu.memory_space<vmem>> -> memref<1x40xi32, #tpu.memory_space<vmem>>
      %dma_start3A_79 = tpu.memref_squeeze %dma_start3A_78 : memref<1x40xi32, #tpu.memory_space<vmem>> -> memref<40xi32, #tpu.memory_space<vmem>>
      %dma_start3A_80 = tpu.memref_slice %arg4[%add3A_71] : memref<320000xi32, #tpu.memory_space<hbm>> -> memref<40xi32, #tpu.memory_space<hbm>>
      tpu.enqueue_dma source(%dma_start3A_80 : memref<40xi32, #tpu.memory_space<hbm>>) target(%dma_start3A_79 : memref<40xi32, #tpu.memory_space<vmem>>) target_semaphore(%arg14 : memref<!tpu.dma_semaphore, #tpu.memory_space<semaphore_mem>>)
      %add3A_81 = arith.constant 80 : i32
      %add3A_82 = arith.addi %add3A_37, %add3A_81 : i32
      %dma_start3A_83 = arith.constant 2 : i32
      %dma_start3A_84 = arith.constant 0 : i32
      %dma_start3A_85 = tpu.memref_slice %arg8[%dma_start3A_83, %dma_start3A_84] : memref<5x40xi32, #tpu.memory_space<vmem>> -> memref<1x40xi32, #tpu.memory_space<vmem>>
      %dma_start3A_86 = tpu.memref_squeeze %dma_start3A_85 : memref<1x40xi32, #tpu.memory_space<vmem>> -> memref<40xi32, #tpu.memory_space<vmem>>
      %dma_start3A_87 = tpu.memref_slice %arg3[%add3A_82] : memref<320000xi32, #tpu.memory_space<hbm>> -> memref<40xi32, #tpu.memory_space<hbm>>
      %dma_start3A_88 = arith.constant 0 : i32
      %dma_start3A_89 = tpu.memref_slice %arg8[%dma_start3A_83, %dma_start3A_88] : memref<5x40xi32, #tpu.memory_space<vmem>> -> memref<1x40xi32, #tpu.memory_space<vmem>>
      %dma_start3A_90 = tpu.memref_squeeze %dma_start3A_89 : memref<1x40xi32, #tpu.memory_space<vmem>> -> memref<40xi32, #tpu.memory_space<vmem>>
      %dma_start3A_91 = tpu.memref_slice %arg3[%add3A_82] : memref<320000xi32, #tpu.memory_space<hbm>> -> memref<40xi32, #tpu.memory_space<hbm>>
      tpu.enqueue_dma source(%dma_start3A_91 : memref<40xi32, #tpu.memory_space<hbm>>) target(%dma_start3A_90 : memref<40xi32, #tpu.memory_space<vmem>>) target_semaphore(%arg14 : memref<!tpu.dma_semaphore, #tpu.memory_space<semaphore_mem>>)
      %add3A_92 = arith.constant 80 : i32
      %add3A_93 = arith.addi %add3A_37, %add3A_92 : i32
      %dma_start3A_94 = arith.constant 2 : i32
      %dma_start3A_95 = arith.constant 0 : i32
      %dma_start3A_96 = tpu.memref_slice %arg9[%dma_start3A_94, %dma_start3A_95] : memref<5x40xi32, #tpu.memory_space<vmem>> -> memref<1x40xi32, #tpu.memory_space<vmem>>
      %dma_start3A_97 = tpu.memref_squeeze %dma_start3A_96 : memref<1x40xi32, #tpu.memory_space<vmem>> -> memref<40xi32, #tpu.memory_space<vmem>>
      %dma_start3A_98 = tpu.memref_slice %arg4[%add3A_93] : memref<320000xi32, #tpu.memory_space<hbm>> -> memref<40xi32, #tpu.memory_space<hbm>>
      %dma_start3A_99 = arith.constant 0 : i32
      %dma_start3A_100 = tpu.memref_slice %arg9[%dma_start3A_94, %dma_start3A_99] : memref<5x40xi32, #tpu.memory_space<vmem>> -> memref<1x40xi32, #tpu.memory_space<vmem>>
      %dma_start3A_101 = tpu.memref_squeeze %dma_start3A_100 : memref<1x40xi32, #tpu.memory_space<vmem>> -> memref<40xi32, #tpu.memory_space<vmem>>
      %dma_start3A_102 = tpu.memref_slice %arg4[%add3A_93] : memref<320000xi32, #tpu.memory_space<hbm>> -> memref<40xi32, #tpu.memory_space<hbm>>
      tpu.enqueue_dma source(%dma_start3A_102 : memref<40xi32, #tpu.memory_space<hbm>>) target(%dma_start3A_101 : memref<40xi32, #tpu.memory_space<vmem>>) target_semaphore(%arg14 : memref<!tpu.dma_semaphore, #tpu.memory_space<semaphore_mem>>)
      %add3A_103 = arith.constant 120 : i32
      %add3A_104 = arith.addi %add3A_37, %add3A_103 : i32
      %dma_start3A_105 = arith.constant 3 : i32
      %dma_start3A_106 = arith.constant 0 : i32
      %dma_start3A_107 = tpu.memref_slice %arg8[%dma_start3A_105, %dma_start3A_106] : memref<5x40xi32, #tpu.memory_space<vmem>> -> memref<1x40xi32, #tpu.memory_space<vmem>>
      %dma_start3A_108 = tpu.memref_squeeze %dma_start3A_107 : memref<1x40xi32, #tpu.memory_space<vmem>> -> memref<40xi32, #tpu.memory_space<vmem>>
      %dma_start3A_109 = tpu.memref_slice %arg3[%add3A_104] : memref<320000xi32, #tpu.memory_space<hbm>> -> memref<40xi32, #tpu.memory_space<hbm>>
      %dma_start3A_110 = arith.constant 0 : i32
      %dma_start3A_111 = tpu.memref_slice %arg8[%dma_start3A_105, %dma_start3A_110] : memref<5x40xi32, #tpu.memory_space<vmem>> -> memref<1x40xi32, #tpu.memory_space<vmem>>
      %dma_start3A_112 = tpu.memref_squeeze %dma_start3A_111 : memref<1x40xi32, #tpu.memory_space<vmem>> -> memref<40xi32, #tpu.memory_space<vmem>>
      %dma_start3A_113 = tpu.memref_slice %arg3[%add3A_104] : memref<320000xi32, #tpu.memory_space<hbm>> -> memref<40xi32, #tpu.memory_space<hbm>>
      tpu.enqueue_dma source(%dma_start3A_113 : memref<40xi32, #tpu.memory_space<hbm>>) target(%dma_start3A_112 : memref<40xi32, #tpu.memory_space<vmem>>) target_semaphore(%arg14 : memref<!tpu.dma_semaphore, #tpu.memory_space<semaphore_mem>>)
      %add3A_114 = arith.constant 120 : i32
      %add3A_115 = arith.addi %add3A_37, %add3A_114 : i32
      %dma_start3A_116 = arith.constant 3 : i32
      %dma_start3A_117 = arith.constant 0 : i32
      %dma_start3A_118 = tpu.memref_slice %arg9[%dma_start3A_116, %dma_start3A_117] : memref<5x40xi32, #tpu.memory_space<vmem>> -> memref<1x40xi32, #tpu.memory_space<vmem>>
      %dma_start3A_119 = tpu.memref_squeeze %dma_start3A_118 : memref<1x40xi32, #tpu.memory_space<vmem>> -> memref<40xi32, #tpu.memory_space<vmem>>
      %dma_start3A_120 = tpu.memref_slice %arg4[%add3A_115] : memref<320000xi32, #tpu.memory_space<hbm>> -> memref<40xi32, #tpu.memory_space<hbm>>
      %dma_start3A_121 = arith.constant 0 : i32
      %dma_start3A_122 = tpu.memref_slice %arg9[%dma_start3A_116, %dma_start3A_121] : memref<5x40xi32, #tpu.memory_space<vmem>> -> memref<1x40xi32, #tpu.memory_space<vmem>>
      %dma_start3A_123 = tpu.memref_squeeze %dma_start3A_122 : memref<1x40xi32, #tpu.memory_space<vmem>> -> memref<40xi32, #tpu.memory_space<vmem>>
      %dma_start3A_124 = tpu.memref_slice %arg4[%add3A_115] : memref<320000xi32, #tpu.memory_space<hbm>> -> memref<40xi32, #tpu.memory_space<hbm>>
      tpu.enqueue_dma source(%dma_start3A_124 : memref<40xi32, #tpu.memory_space<hbm>>) target(%dma_start3A_123 : memref<40xi32, #tpu.memory_space<vmem>>) target_semaphore(%arg14 : memref<!tpu.dma_semaphore, #tpu.memory_space<semaphore_mem>>)
      %add3A_125 = arith.constant 160 : i32
      %add3A_126 = arith.addi %add3A_37, %add3A_125 : i32
      %dma_start3A_127 = arith.constant 4 : i32
      %dma_start3A_128 = arith.constant 0 : i32
      %dma_start3A_129 = tpu.memref_slice %arg8[%dma_start3A_127, %dma_start3A_128] : memref<5x40xi32, #tpu.memory_space<vmem>> -> memref<1x40xi32, #tpu.memory_space<vmem>>
      %dma_start3A_130 = tpu.memref_squeeze %dma_start3A_129 : memref<1x40xi32, #tpu.memory_space<vmem>> -> memref<40xi32, #tpu.memory_space<vmem>>
      %dma_start3A_131 = tpu.memref_slice %arg3[%add3A_126] : memref<320000xi32, #tpu.memory_space<hbm>> -> memref<40xi32, #tpu.memory_space<hbm>>
      %dma_start3A_132 = arith.constant 0 : i32
      %dma_start3A_133 = tpu.memref_slice %arg8[%dma_start3A_127, %dma_start3A_132] : memref<5x40xi32, #tpu.memory_space<vmem>> -> memref<1x40xi32, #tpu.memory_space<vmem>>
      %dma_start3A_134 = tpu.memref_squeeze %dma_start3A_133 : memref<1x40xi32, #tpu.memory_space<vmem>> -> memref<40xi32, #tpu.memory_space<vmem>>
      %dma_start3A_135 = tpu.memref_slice %arg3[%add3A_126] : memref<320000xi32, #tpu.memory_space<hbm>> -> memref<40xi32, #tpu.memory_space<hbm>>
      tpu.enqueue_dma source(%dma_start3A_135 : memref<40xi32, #tpu.memory_space<hbm>>) target(%dma_start3A_134 : memref<40xi32, #tpu.memory_space<vmem>>) target_semaphore(%arg14 : memref<!tpu.dma_semaphore, #tpu.memory_space<semaphore_mem>>)
      %add3A_136 = arith.constant 160 : i32
      %add3A_137 = arith.addi %add3A_37, %add3A_136 : i32
      %dma_start3A_138 = arith.constant 4 : i32
      %dma_start3A_139 = arith.constant 0 : i32
      %dma_start3A_140 = tpu.memref_slice %arg9[%dma_start3A_138, %dma_start3A_139] : memref<5x40xi32, #tpu.memory_space<vmem>> -> memref<1x40xi32, #tpu.memory_space<vmem>>
      %dma_start3A_141 = tpu.memref_squeeze %dma_start3A_140 : memref<1x40xi32, #tpu.memory_space<vmem>> -> memref<40xi32, #tpu.memory_space<vmem>>
      %dma_start3A_142 = tpu.memref_slice %arg4[%add3A_137] : memref<320000xi32, #tpu.memory_space<hbm>> -> memref<40xi32, #tpu.memory_space<hbm>>
      %dma_start3A_143 = arith.constant 0 : i32
      %dma_start3A_144 = tpu.memref_slice %arg9[%dma_start3A_138, %dma_start3A_143] : memref<5x40xi32, #tpu.memory_space<vmem>> -> memref<1x40xi32, #tpu.memory_space<vmem>>
      %dma_start3A_145 = tpu.memref_squeeze %dma_start3A_144 : memref<1x40xi32, #tpu.memory_space<vmem>> -> memref<40xi32, #tpu.memory_space<vmem>>
      %dma_start3A_146 = tpu.memref_slice %arg4[%add3A_137] : memref<320000xi32, #tpu.memory_space<hbm>> -> memref<40xi32, #tpu.memory_space<hbm>>
      tpu.enqueue_dma source(%dma_start3A_146 : memref<40xi32, #tpu.memory_space<hbm>>) target(%dma_start3A_145 : memref<40xi32, #tpu.memory_space<vmem>>) target_semaphore(%arg14 : memref<!tpu.dma_semaphore, #tpu.memory_space<semaphore_mem>>)
      %dma_wait3A = arith.constant 0 : i32
      %dma_wait3A_147 = arith.constant 0 : i32
      %dma_wait3A_148 = tpu.memref_slice %arg8[%dma_wait3A, %dma_wait3A_147] : memref<5x40xi32, #tpu.memory_space<vmem>> -> memref<1x40xi32, #tpu.memory_space<vmem>>
      %dma_wait3A_149 = tpu.memref_squeeze %dma_wait3A_148 : memref<1x40xi32, #tpu.memory_space<vmem>> -> memref<40xi32, #tpu.memory_space<vmem>>
      %dma_wait3A_150 = tpu.memref_slice %arg3[%add3A_39] : memref<320000xi32, #tpu.memory_space<hbm>> -> memref<40xi32, #tpu.memory_space<hbm>>
      %dma_wait3A_151 = arith.constant 0 : i32
      %dma_wait3A_152 = tpu.memref_slice %arg8[%dma_wait3A, %dma_wait3A_151] : memref<5x40xi32, #tpu.memory_space<vmem>> -> memref<1x40xi32, #tpu.memory_space<vmem>>
      %dma_wait3A_153 = tpu.memref_squeeze %dma_wait3A_152 : memref<1x40xi32, #tpu.memory_space<vmem>> -> memref<40xi32, #tpu.memory_space<vmem>>
      %dma_wait3A_154 = tpu.memref_slice %arg3[%add3A_39] : memref<320000xi32, #tpu.memory_space<hbm>> -> memref<40xi32, #tpu.memory_space<hbm>>
      tpu.wait_dma2 semaphore(%arg14 : memref<!tpu.dma_semaphore, #tpu.memory_space<semaphore_mem>>) src(%dma_wait3A_154 : memref<40xi32, #tpu.memory_space<hbm>>) dst(%dma_wait3A_153 : memref<40xi32, #tpu.memory_space<vmem>>)
      %dma_wait3A_155 = arith.constant 0 : i32
      %dma_wait3A_156 = arith.constant 0 : i32
      %dma_wait3A_157 = tpu.memref_slice %arg9[%dma_wait3A_155, %dma_wait3A_156] : memref<5x40xi32, #tpu.memory_space<vmem>> -> memref<1x40xi32, #tpu.memory_space<vmem>>
      %dma_wait3A_158 = tpu.memref_squeeze %dma_wait3A_157 : memref<1x40xi32, #tpu.memory_space<vmem>> -> memref<40xi32, #tpu.memory_space<vmem>>
      %dma_wait3A_159 = tpu.memref_slice %arg4[%add3A_49] : memref<320000xi32, #tpu.memory_space<hbm>> -> memref<40xi32, #tpu.memory_space<hbm>>
      %dma_wait3A_160 = arith.constant 0 : i32
      %dma_wait3A_161 = tpu.memref_slice %arg9[%dma_wait3A_155, %dma_wait3A_160] : memref<5x40xi32, #tpu.memory_space<vmem>> -> memref<1x40xi32, #tpu.memory_space<vmem>>
      %dma_wait3A_162 = tpu.memref_squeeze %dma_wait3A_161 : memref<1x40xi32, #tpu.memory_space<vmem>> -> memref<40xi32, #tpu.memory_space<vmem>>
      %dma_wait3A_163 = tpu.memref_slice %arg4[%add3A_49] : memref<320000xi32, #tpu.memory_space<hbm>> -> memref<40xi32, #tpu.memory_space<hbm>>
      tpu.wait_dma2 semaphore(%arg14 : memref<!tpu.dma_semaphore, #tpu.memory_space<semaphore_mem>>) src(%dma_wait3A_163 : memref<40xi32, #tpu.memory_space<hbm>>) dst(%dma_wait3A_162 : memref<40xi32, #tpu.memory_space<vmem>>)
      %dma_wait3A_164 = arith.constant 1 : i32
      %dma_wait3A_165 = arith.constant 0 : i32
      %dma_wait3A_166 = tpu.memref_slice %arg8[%dma_wait3A_164, %dma_wait3A_165] : memref<5x40xi32, #tpu.memory_space<vmem>> -> memref<1x40xi32, #tpu.memory_space<vmem>>
      %dma_wait3A_167 = tpu.memref_squeeze %dma_wait3A_166 : memref<1x40xi32, #tpu.memory_space<vmem>> -> memref<40xi32, #tpu.memory_space<vmem>>
      %dma_wait3A_168 = tpu.memref_slice %arg3[%add3A_60] : memref<320000xi32, #tpu.memory_space<hbm>> -> memref<40xi32, #tpu.memory_space<hbm>>
      %dma_wait3A_169 = arith.constant 0 : i32
      %dma_wait3A_170 = tpu.memref_slice %arg8[%dma_wait3A_164, %dma_wait3A_169] : memref<5x40xi32, #tpu.memory_space<vmem>> -> memref<1x40xi32, #tpu.memory_space<vmem>>
      %dma_wait3A_171 = tpu.memref_squeeze %dma_wait3A_170 : memref<1x40xi32, #tpu.memory_space<vmem>> -> memref<40xi32, #tpu.memory_space<vmem>>
      %dma_wait3A_172 = tpu.memref_slice %arg3[%add3A_60] : memref<320000xi32, #tpu.memory_space<hbm>> -> memref<40xi32, #tpu.memory_space<hbm>>
      tpu.wait_dma2 semaphore(%arg14 : memref<!tpu.dma_semaphore, #tpu.memory_space<semaphore_mem>>) src(%dma_wait3A_172 : memref<40xi32, #tpu.memory_space<hbm>>) dst(%dma_wait3A_171 : memref<40xi32, #tpu.memory_space<vmem>>)
      %dma_wait3A_173 = arith.constant 1 : i32
      %dma_wait3A_174 = arith.constant 0 : i32
      %dma_wait3A_175 = tpu.memref_slice %arg9[%dma_wait3A_173, %dma_wait3A_174] : memref<5x40xi32, #tpu.memory_space<vmem>> -> memref<1x40xi32, #tpu.memory_space<vmem>>
      %dma_wait3A_176 = tpu.memref_squeeze %dma_wait3A_175 : memref<1x40xi32, #tpu.memory_space<vmem>> -> memref<40xi32, #tpu.memory_space<vmem>>
      %dma_wait3A_177 = tpu.memref_slice %arg4[%add3A_71] : memref<320000xi32, #tpu.memory_space<hbm>> -> memref<40xi32, #tpu.memory_space<hbm>>
      %dma_wait3A_178 = arith.constant 0 : i32
      %dma_wait3A_179 = tpu.memref_slice %arg9[%dma_wait3A_173, %dma_wait3A_178] : memref<5x40xi32, #tpu.memory_space<vmem>> -> memref<1x40xi32, #tpu.memory_space<vmem>>
      %dma_wait3A_180 = tpu.memref_squeeze %dma_wait3A_179 : memref<1x40xi32, #tpu.memory_space<vmem>> -> memref<40xi32, #tpu.memory_space<vmem>>
      %dma_wait3A_181 = tpu.memref_slice %arg4[%add3A_71] : memref<320000xi32, #tpu.memory_space<hbm>> -> memref<40xi32, #tpu.memory_space<hbm>>
      tpu.wait_dma2 semaphore(%arg14 : memref<!tpu.dma_semaphore, #tpu.memory_space<semaphore_mem>>) src(%dma_wait3A_181 : memref<40xi32, #tpu.memory_space<hbm>>) dst(%dma_wait3A_180 : memref<40xi32, #tpu.memory_space<vmem>>)
      %dma_wait3A_182 = arith.constant 2 : i32
      %dma_wait3A_183 = arith.constant 0 : i32
      %dma_wait3A_184 = tpu.memref_slice %arg8[%dma_wait3A_182, %dma_wait3A_183] : memref<5x40xi32, #tpu.memory_space<vmem>> -> memref<1x40xi32, #tpu.memory_space<vmem>>
      %dma_wait3A_185 = tpu.memref_squeeze %dma_wait3A_184 : memref<1x40xi32, #tpu.memory_space<vmem>> -> memref<40xi32, #tpu.memory_space<vmem>>
      %dma_wait3A_186 = tpu.memref_slice %arg3[%add3A_82] : memref<320000xi32, #tpu.memory_space<hbm>> -> memref<40xi32, #tpu.memory_space<hbm>>
      %dma_wait3A_187 = arith.constant 0 : i32
      %dma_wait3A_188 = tpu.memref_slice %arg8[%dma_wait3A_182, %dma_wait3A_187] : memref<5x40xi32, #tpu.memory_space<vmem>> -> memref<1x40xi32, #tpu.memory_space<vmem>>
      %dma_wait3A_189 = tpu.memref_squeeze %dma_wait3A_188 : memref<1x40xi32, #tpu.memory_space<vmem>> -> memref<40xi32, #tpu.memory_space<vmem>>
      %dma_wait3A_190 = tpu.memref_slice %arg3[%add3A_82] : memref<320000xi32, #tpu.memory_space<hbm>> -> memref<40xi32, #tpu.memory_space<hbm>>
      tpu.wait_dma2 semaphore(%arg14 : memref<!tpu.dma_semaphore, #tpu.memory_space<semaphore_mem>>) src(%dma_wait3A_190 : memref<40xi32, #tpu.memory_space<hbm>>) dst(%dma_wait3A_189 : memref<40xi32, #tpu.memory_space<vmem>>)
      %dma_wait3A_191 = arith.constant 2 : i32
      %dma_wait3A_192 = arith.constant 0 : i32
      %dma_wait3A_193 = tpu.memref_slice %arg9[%dma_wait3A_191, %dma_wait3A_192] : memref<5x40xi32, #tpu.memory_space<vmem>> -> memref<1x40xi32, #tpu.memory_space<vmem>>
      %dma_wait3A_194 = tpu.memref_squeeze %dma_wait3A_193 : memref<1x40xi32, #tpu.memory_space<vmem>> -> memref<40xi32, #tpu.memory_space<vmem>>
      %dma_wait3A_195 = tpu.memref_slice %arg4[%add3A_93] : memref<320000xi32, #tpu.memory_space<hbm>> -> memref<40xi32, #tpu.memory_space<hbm>>
      %dma_wait3A_196 = arith.constant 0 : i32
      %dma_wait3A_197 = tpu.memref_slice %arg9[%dma_wait3A_191, %dma_wait3A_196] : memref<5x40xi32, #tpu.memory_space<vmem>> -> memref<1x40xi32, #tpu.memory_space<vmem>>
      %dma_wait3A_198 = tpu.memref_squeeze %dma_wait3A_197 : memref<1x40xi32, #tpu.memory_space<vmem>> -> memref<40xi32, #tpu.memory_space<vmem>>
      %dma_wait3A_199 = tpu.memref_slice %arg4[%add3A_93] : memref<320000xi32, #tpu.memory_space<hbm>> -> memref<40xi32, #tpu.memory_space<hbm>>
      tpu.wait_dma2 semaphore(%arg14 : memref<!tpu.dma_semaphore, #tpu.memory_space<semaphore_mem>>) src(%dma_wait3A_199 : memref<40xi32, #tpu.memory_space<hbm>>) dst(%dma_wait3A_198 : memref<40xi32, #tpu.memory_space<vmem>>)
      %dma_wait3A_200 = arith.constant 3 : i32
      %dma_wait3A_201 = arith.constant 0 : i32
      %dma_wait3A_202 = tpu.memref_slice %arg8[%dma_wait3A_200, %dma_wait3A_201] : memref<5x40xi32, #tpu.memory_space<vmem>> -> memref<1x40xi32, #tpu.memory_space<vmem>>
      %dma_wait3A_203 = tpu.memref_squeeze %dma_wait3A_202 : memref<1x40xi32, #tpu.memory_space<vmem>> -> memref<40xi32, #tpu.memory_space<vmem>>
      %dma_wait3A_204 = tpu.memref_slice %arg3[%add3A_104] : memref<320000xi32, #tpu.memory_space<hbm>> -> memref<40xi32, #tpu.memory_space<hbm>>
      %dma_wait3A_205 = arith.constant 0 : i32
      %dma_wait3A_206 = tpu.memref_slice %arg8[%dma_wait3A_200, %dma_wait3A_205] : memref<5x40xi32, #tpu.memory_space<vmem>> -> memref<1x40xi32, #tpu.memory_space<vmem>>
      %dma_wait3A_207 = tpu.memref_squeeze %dma_wait3A_206 : memref<1x40xi32, #tpu.memory_space<vmem>> -> memref<40xi32, #tpu.memory_space<vmem>>
      %dma_wait3A_208 = tpu.memref_slice %arg3[%add3A_104] : memref<320000xi32, #tpu.memory_space<hbm>> -> memref<40xi32, #tpu.memory_space<hbm>>
      tpu.wait_dma2 semaphore(%arg14 : memref<!tpu.dma_semaphore, #tpu.memory_space<semaphore_mem>>) src(%dma_wait3A_208 : memref<40xi32, #tpu.memory_space<hbm>>) dst(%dma_wait3A_207 : memref<40xi32, #tpu.memory_space<vmem>>)
      %dma_wait3A_209 = arith.constant 3 : i32
      %dma_wait3A_210 = arith.constant 0 : i32
      %dma_wait3A_211 = tpu.memref_slice %arg9[%dma_wait3A_209, %dma_wait3A_210] : memref<5x40xi32, #tpu.memory_space<vmem>> -> memref<1x40xi32, #tpu.memory_space<vmem>>
      %dma_wait3A_212 = tpu.memref_squeeze %dma_wait3A_211 : memref<1x40xi32, #tpu.memory_space<vmem>> -> memref<40xi32, #tpu.memory_space<vmem>>
      %dma_wait3A_213 = tpu.memref_slice %arg4[%add3A_115] : memref<320000xi32, #tpu.memory_space<hbm>> -> memref<40xi32, #tpu.memory_space<hbm>>
      %dma_wait3A_214 = arith.constant 0 : i32
      %dma_wait3A_215 = tpu.memref_slice %arg9[%dma_wait3A_209, %dma_wait3A_214] : memref<5x40xi32, #tpu.memory_space<vmem>> -> memref<1x40xi32, #tpu.memory_space<vmem>>
      %dma_wait3A_216 = tpu.memref_squeeze %dma_wait3A_215 : memref<1x40xi32, #tpu.memory_space<vmem>> -> memref<40xi32, #tpu.memory_space<vmem>>
      %dma_wait3A_217 = tpu.memref_slice %arg4[%add3A_115] : memref<320000xi32, #tpu.memory_space<hbm>> -> memref<40xi32, #tpu.memory_space<hbm>>
      tpu.wait_dma2 semaphore(%arg14 : memref<!tpu.dma_semaphore, #tpu.memory_space<semaphore_mem>>) src(%dma_wait3A_217 : memref<40xi32, #tpu.memory_space<hbm>>) dst(%dma_wait3A_216 : memref<40xi32, #tpu.memory_space<vmem>>)
      %dma_wait3A_218 = arith.constant 4 : i32
      %dma_wait3A_219 = arith.constant 0 : i32
      %dma_wait3A_220 = tpu.memref_slice %arg8[%dma_wait3A_218, %dma_wait3A_219] : memref<5x40xi32, #tpu.memory_space<vmem>> -> memref<1x40xi32, #tpu.memory_space<vmem>>
      %dma_wait3A_221 = tpu.memref_squeeze %dma_wait3A_220 : memref<1x40xi32, #tpu.memory_space<vmem>> -> memref<40xi32, #tpu.memory_space<vmem>>
      %dma_wait3A_222 = tpu.memref_slice %arg3[%add3A_126] : memref<320000xi32, #tpu.memory_space<hbm>> -> memref<40xi32, #tpu.memory_space<hbm>>
      %dma_wait3A_223 = arith.constant 0 : i32
      %dma_wait3A_224 = tpu.memref_slice %arg8[%dma_wait3A_218, %dma_wait3A_223] : memref<5x40xi32, #tpu.memory_space<vmem>> -> memref<1x40xi32, #tpu.memory_space<vmem>>
      %dma_wait3A_225 = tpu.memref_squeeze %dma_wait3A_224 : memref<1x40xi32, #tpu.memory_space<vmem>> -> memref<40xi32, #tpu.memory_space<vmem>>
      %dma_wait3A_226 = tpu.memref_slice %arg3[%add3A_126] : memref<320000xi32, #tpu.memory_space<hbm>> -> memref<40xi32, #tpu.memory_space<hbm>>
      tpu.wait_dma2 semaphore(%arg14 : memref<!tpu.dma_semaphore, #tpu.memory_space<semaphore_mem>>) src(%dma_wait3A_226 : memref<40xi32, #tpu.memory_space<hbm>>) dst(%dma_wait3A_225 : memref<40xi32, #tpu.memory_space<vmem>>)
      %dma_wait3A_227 = arith.constant 4 : i32
      %dma_wait3A_228 = arith.constant 0 : i32
      %dma_wait3A_229 = tpu.memref_slice %arg9[%dma_wait3A_227, %dma_wait3A_228] : memref<5x40xi32, #tpu.memory_space<vmem>> -> memref<1x40xi32, #tpu.memory_space<vmem>>
      %dma_wait3A_230 = tpu.memref_squeeze %dma_wait3A_229 : memref<1x40xi32, #tpu.memory_space<vmem>> -> memref<40xi32, #tpu.memory_space<vmem>>
      %dma_wait3A_231 = tpu.memref_slice %arg4[%add3A_137] : memref<320000xi32, #tpu.memory_space<hbm>> -> memref<40xi32, #tpu.memory_space<hbm>>
      %dma_wait3A_232 = arith.constant 0 : i32
      %dma_wait3A_233 = tpu.memref_slice %arg9[%dma_wait3A_227, %dma_wait3A_232] : memref<5x40xi32, #tpu.memory_space<vmem>> -> memref<1x40xi32, #tpu.memory_space<vmem>>
      %dma_wait3A_234 = tpu.memref_squeeze %dma_wait3A_233 : memref<1x40xi32, #tpu.memory_space<vmem>> -> memref<40xi32, #tpu.memory_space<vmem>>
      %dma_wait3A_235 = tpu.memref_slice %arg4[%add3A_137] : memref<320000xi32, #tpu.memory_space<hbm>> -> memref<40xi32, #tpu.memory_space<hbm>>
      tpu.wait_dma2 semaphore(%arg14 : memref<!tpu.dma_semaphore, #tpu.memory_space<semaphore_mem>>) src(%dma_wait3A_235 : memref<40xi32, #tpu.memory_space<hbm>>) dst(%dma_wait3A_234 : memref<40xi32, #tpu.memory_space<vmem>>)
      %dma_start3A_236 = arith.constant 0 : i32
      %dma_start3A_237 = arith.constant 0 : i32
      %dma_start3A_238 = arith.constant 0 : i32
      %dma_start3A_239 = tpu.memref_slice %arg10[%dma_start3A_237, %dma_start3A_238] : memref<200x128xf32, #tpu.memory_space<vmem>> -> memref<40x128xf32, #tpu.memory_space<vmem>>
      %dma_start3A_240 = arith.constant 0 : i32
      %dma_start3A_241 = tpu.memref_slice %arg8[%dma_start3A_236, %dma_start3A_240] : memref<5x40xi32, #tpu.memory_space<vmem>> -> memref<1x40xi32, #tpu.memory_space<vmem>>
      %dma_start3A_242 = tpu.memref_squeeze %dma_start3A_241 : memref<1x40xi32, #tpu.memory_space<vmem>> -> memref<40xi32, #tpu.memory_space<vmem>>
      %dma_start3A_243 = arith.constant 0 : i32
      %dma_start3A_244 = arith.constant 0 : i32
      %dma_start3A_245 = tpu.memref_slice %arg2[%dma_start3A_243, %dma_start3A_244] : memref<60000x128xf32, #tpu.memory_space<hbm>> -> memref<60000x128xf32, #tpu.memory_space<hbm>>
      tpu.enqueue_indirect_dma source(%dma_start3A_245 : memref<60000x128xf32, #tpu.memory_space<hbm>>) target(%dma_start3A_239 : memref<40x128xf32, #tpu.memory_space<vmem>>) offsets(%dma_start3A_242 : memref<40xi32, #tpu.memory_space<vmem>>) semaphore(%arg13 : memref<!tpu.dma_semaphore, #tpu.memory_space<semaphore_mem>>)
      %dma_start3A_246 = arith.constant 1 : i32
      %dma_start3A_247 = arith.constant 40 : i32
      %dma_start3A_248 = arith.constant 0 : i32
      %dma_start3A_249 = tpu.memref_slice %arg10[%dma_start3A_247, %dma_start3A_248] : memref<200x128xf32, #tpu.memory_space<vmem>> -> memref<40x128xf32, #tpu.memory_space<vmem>>
      %dma_start3A_250 = arith.constant 0 : i32
      %dma_start3A_251 = tpu.memref_slice %arg8[%dma_start3A_246, %dma_start3A_250] : memref<5x40xi32, #tpu.memory_space<vmem>> -> memref<1x40xi32, #tpu.memory_space<vmem>>
      %dma_start3A_252 = tpu.memref_squeeze %dma_start3A_251 : memref<1x40xi32, #tpu.memory_space<vmem>> -> memref<40xi32, #tpu.memory_space<vmem>>
      %dma_start3A_253 = arith.constant 0 : i32
      %dma_start3A_254 = arith.constant 0 : i32
      %dma_start3A_255 = tpu.memref_slice %arg2[%dma_start3A_253, %dma_start3A_254] : memref<60000x128xf32, #tpu.memory_space<hbm>> -> memref<60000x128xf32, #tpu.memory_space<hbm>>
      tpu.enqueue_indirect_dma source(%dma_start3A_255 : memref<60000x128xf32, #tpu.memory_space<hbm>>) target(%dma_start3A_249 : memref<40x128xf32, #tpu.memory_space<vmem>>) offsets(%dma_start3A_252 : memref<40xi32, #tpu.memory_space<vmem>>) semaphore(%arg13 : memref<!tpu.dma_semaphore, #tpu.memory_space<semaphore_mem>>)
      %dma_start3A_256 = arith.constant 2 : i32
      %dma_start3A_257 = arith.constant 80 : i32
      %dma_start3A_258 = arith.constant 0 : i32
      %dma_start3A_259 = tpu.memref_slice %arg10[%dma_start3A_257, %dma_start3A_258] : memref<200x128xf32, #tpu.memory_space<vmem>> -> memref<40x128xf32, #tpu.memory_space<vmem>>
      %dma_start3A_260 = arith.constant 0 : i32
      %dma_start3A_261 = tpu.memref_slice %arg8[%dma_start3A_256, %dma_start3A_260] : memref<5x40xi32, #tpu.memory_space<vmem>> -> memref<1x40xi32, #tpu.memory_space<vmem>>
      %dma_start3A_262 = tpu.memref_squeeze %dma_start3A_261 : memref<1x40xi32, #tpu.memory_space<vmem>> -> memref<40xi32, #tpu.memory_space<vmem>>
      %dma_start3A_263 = arith.constant 0 : i32
      %dma_start3A_264 = arith.constant 0 : i32
      %dma_start3A_265 = tpu.memref_slice %arg2[%dma_start3A_263, %dma_start3A_264] : memref<60000x128xf32, #tpu.memory_space<hbm>> -> memref<60000x128xf32, #tpu.memory_space<hbm>>
      tpu.enqueue_indirect_dma source(%dma_start3A_265 : memref<60000x128xf32, #tpu.memory_space<hbm>>) target(%dma_start3A_259 : memref<40x128xf32, #tpu.memory_space<vmem>>) offsets(%dma_start3A_262 : memref<40xi32, #tpu.memory_space<vmem>>) semaphore(%arg13 : memref<!tpu.dma_semaphore, #tpu.memory_space<semaphore_mem>>)
      %dma_start3A_266 = arith.constant 3 : i32
      %dma_start3A_267 = arith.constant 120 : i32
      %dma_start3A_268 = arith.constant 0 : i32
      %dma_start3A_269 = tpu.memref_slice %arg10[%dma_start3A_267, %dma_start3A_268] : memref<200x128xf32, #tpu.memory_space<vmem>> -> memref<40x128xf32, #tpu.memory_space<vmem>>
      %dma_start3A_270 = arith.constant 0 : i32
      %dma_start3A_271 = tpu.memref_slice %arg8[%dma_start3A_266, %dma_start3A_270] : memref<5x40xi32, #tpu.memory_space<vmem>> -> memref<1x40xi32, #tpu.memory_space<vmem>>
      %dma_start3A_272 = tpu.memref_squeeze %dma_start3A_271 : memref<1x40xi32, #tpu.memory_space<vmem>> -> memref<40xi32, #tpu.memory_space<vmem>>
      %dma_start3A_273 = arith.constant 0 : i32
      %dma_start3A_274 = arith.constant 0 : i32
      %dma_start3A_275 = tpu.memref_slice %arg2[%dma_start3A_273, %dma_start3A_274] : memref<60000x128xf32, #tpu.memory_space<hbm>> -> memref<60000x128xf32, #tpu.memory_space<hbm>>
      tpu.enqueue_indirect_dma source(%dma_start3A_275 : memref<60000x128xf32, #tpu.memory_space<hbm>>) target(%dma_start3A_269 : memref<40x128xf32, #tpu.memory_space<vmem>>) offsets(%dma_start3A_272 : memref<40xi32, #tpu.memory_space<vmem>>) semaphore(%arg13 : memref<!tpu.dma_semaphore, #tpu.memory_space<semaphore_mem>>)
      %dma_start3A_276 = arith.constant 4 : i32
      %dma_start3A_277 = arith.constant 160 : i32
      %dma_start3A_278 = arith.constant 0 : i32
      %dma_start3A_279 = tpu.memref_slice %arg10[%dma_start3A_277, %dma_start3A_278] : memref<200x128xf32, #tpu.memory_space<vmem>> -> memref<40x128xf32, #tpu.memory_space<vmem>>
      %dma_start3A_280 = arith.constant 0 : i32
      %dma_start3A_281 = tpu.memref_slice %arg8[%dma_start3A_276, %dma_start3A_280] : memref<5x40xi32, #tpu.memory_space<vmem>> -> memref<1x40xi32, #tpu.memory_space<vmem>>
      %dma_start3A_282 = tpu.memref_squeeze %dma_start3A_281 : memref<1x40xi32, #tpu.memory_space<vmem>> -> memref<40xi32, #tpu.memory_space<vmem>>
      %dma_start3A_283 = arith.constant 0 : i32
      %dma_start3A_284 = arith.constant 0 : i32
      %dma_start3A_285 = tpu.memref_slice %arg2[%dma_start3A_283, %dma_start3A_284] : memref<60000x128xf32, #tpu.memory_space<hbm>> -> memref<60000x128xf32, #tpu.memory_space<hbm>>
      tpu.enqueue_indirect_dma source(%dma_start3A_285 : memref<60000x128xf32, #tpu.memory_space<hbm>>) target(%dma_start3A_279 : memref<40x128xf32, #tpu.memory_space<vmem>>) offsets(%dma_start3A_282 : memref<40xi32, #tpu.memory_space<vmem>>) semaphore(%arg13 : memref<!tpu.dma_semaphore, #tpu.memory_space<semaphore_mem>>)
      %dma_wait3A_286 = arith.constant 0 : i32
      %dma_wait3A_287 = arith.constant 0 : i32
      %dma_wait3A_288 = arith.constant 0 : i32
      %dma_wait3A_289 = tpu.memref_slice %arg10[%dma_wait3A_287, %dma_wait3A_288] : memref<200x128xf32, #tpu.memory_space<vmem>> -> memref<40x128xf32, #tpu.memory_space<vmem>>
      %dma_wait3A_290 = arith.constant 0 : i32
      %dma_wait3A_291 = tpu.memref_slice %arg8[%dma_wait3A_286, %dma_wait3A_290] : memref<5x40xi32, #tpu.memory_space<vmem>> -> memref<1x40xi32, #tpu.memory_space<vmem>>
      %dma_wait3A_292 = tpu.memref_squeeze %dma_wait3A_291 : memref<1x40xi32, #tpu.memory_space<vmem>> -> memref<40xi32, #tpu.memory_space<vmem>>
      %dma_wait3A_293 = arith.constant 0 : i32
      %dma_wait3A_294 = arith.constant 0 : i32
      %dma_wait3A_295 = tpu.memref_slice %arg2[%dma_wait3A_293, %dma_wait3A_294] : memref<60000x128xf32, #tpu.memory_space<hbm>> -> memref<60000x128xf32, #tpu.memory_space<hbm>>
      tpu.wait_indirect_dma semaphore(%arg13 : memref<!tpu.dma_semaphore, #tpu.memory_space<semaphore_mem>>) src(%dma_wait3A_295 : memref<60000x128xf32, #tpu.memory_space<hbm>>) dst(%dma_wait3A_289 : memref<40x128xf32, #tpu.memory_space<vmem>>)
      %dma_wait3A_296 = arith.constant 1 : i32
      %dma_wait3A_297 = arith.constant 40 : i32
      %dma_wait3A_298 = arith.constant 0 : i32
      %dma_wait3A_299 = tpu.memref_slice %arg10[%dma_wait3A_297, %dma_wait3A_298] : memref<200x128xf32, #tpu.memory_space<vmem>> -> memref<40x128xf32, #tpu.memory_space<vmem>>
      %dma_wait3A_300 = arith.constant 0 : i32
      %dma_wait3A_301 = tpu.memref_slice %arg8[%dma_wait3A_296, %dma_wait3A_300] : memref<5x40xi32, #tpu.memory_space<vmem>> -> memref<1x40xi32, #tpu.memory_space<vmem>>
      %dma_wait3A_302 = tpu.memref_squeeze %dma_wait3A_301 : memref<1x40xi32, #tpu.memory_space<vmem>> -> memref<40xi32, #tpu.memory_space<vmem>>
      %dma_wait3A_303 = arith.constant 0 : i32
      %dma_wait3A_304 = arith.constant 0 : i32
      %dma_wait3A_305 = tpu.memref_slice %arg2[%dma_wait3A_303, %dma_wait3A_304] : memref<60000x128xf32, #tpu.memory_space<hbm>> -> memref<60000x128xf32, #tpu.memory_space<hbm>>
      tpu.wait_indirect_dma semaphore(%arg13 : memref<!tpu.dma_semaphore, #tpu.memory_space<semaphore_mem>>) src(%dma_wait3A_305 : memref<60000x128xf32, #tpu.memory_space<hbm>>) dst(%dma_wait3A_299 : memref<40x128xf32, #tpu.memory_space<vmem>>)
      %dma_wait3A_306 = arith.constant 2 : i32
      %dma_wait3A_307 = arith.constant 80 : i32
      %dma_wait3A_308 = arith.constant 0 : i32
      %dma_wait3A_309 = tpu.memref_slice %arg10[%dma_wait3A_307, %dma_wait3A_308] : memref<200x128xf32, #tpu.memory_space<vmem>> -> memref<40x128xf32, #tpu.memory_space<vmem>>
      %dma_wait3A_310 = arith.constant 0 : i32
      %dma_wait3A_311 = tpu.memref_slice %arg8[%dma_wait3A_306, %dma_wait3A_310] : memref<5x40xi32, #tpu.memory_space<vmem>> -> memref<1x40xi32, #tpu.memory_space<vmem>>
      %dma_wait3A_312 = tpu.memref_squeeze %dma_wait3A_311 : memref<1x40xi32, #tpu.memory_space<vmem>> -> memref<40xi32, #tpu.memory_space<vmem>>
      %dma_wait3A_313 = arith.constant 0 : i32
      %dma_wait3A_314 = arith.constant 0 : i32
      %dma_wait3A_315 = tpu.memref_slice %arg2[%dma_wait3A_313, %dma_wait3A_314] : memref<60000x128xf32, #tpu.memory_space<hbm>> -> memref<60000x128xf32, #tpu.memory_space<hbm>>
      tpu.wait_indirect_dma semaphore(%arg13 : memref<!tpu.dma_semaphore, #tpu.memory_space<semaphore_mem>>) src(%dma_wait3A_315 : memref<60000x128xf32, #tpu.memory_space<hbm>>) dst(%dma_wait3A_309 : memref<40x128xf32, #tpu.memory_space<vmem>>)
      %dma_wait3A_316 = arith.constant 3 : i32
      %dma_wait3A_317 = arith.constant 120 : i32
      %dma_wait3A_318 = arith.constant 0 : i32
      %dma_wait3A_319 = tpu.memref_slice %arg10[%dma_wait3A_317, %dma_wait3A_318] : memref<200x128xf32, #tpu.memory_space<vmem>> -> memref<40x128xf32, #tpu.memory_space<vmem>>
      %dma_wait3A_320 = arith.constant 0 : i32
      %dma_wait3A_321 = tpu.memref_slice %arg8[%dma_wait3A_316, %dma_wait3A_320] : memref<5x40xi32, #tpu.memory_space<vmem>> -> memref<1x40xi32, #tpu.memory_space<vmem>>
      %dma_wait3A_322 = tpu.memref_squeeze %dma_wait3A_321 : memref<1x40xi32, #tpu.memory_space<vmem>> -> memref<40xi32, #tpu.memory_space<vmem>>
      %dma_wait3A_323 = arith.constant 0 : i32
      %dma_wait3A_324 = arith.constant 0 : i32
      %dma_wait3A_325 = tpu.memref_slice %arg2[%dma_wait3A_323, %dma_wait3A_324] : memref<60000x128xf32, #tpu.memory_space<hbm>> -> memref<60000x128xf32, #tpu.memory_space<hbm>>
      tpu.wait_indirect_dma semaphore(%arg13 : memref<!tpu.dma_semaphore, #tpu.memory_space<semaphore_mem>>) src(%dma_wait3A_325 : memref<60000x128xf32, #tpu.memory_space<hbm>>) dst(%dma_wait3A_319 : memref<40x128xf32, #tpu.memory_space<vmem>>)
      %dma_wait3A_326 = arith.constant 4 : i32
      %dma_wait3A_327 = arith.constant 160 : i32
      %dma_wait3A_328 = arith.constant 0 : i32
      %dma_wait3A_329 = tpu.memref_slice %arg10[%dma_wait3A_327, %dma_wait3A_328] : memref<200x128xf32, #tpu.memory_space<vmem>> -> memref<40x128xf32, #tpu.memory_space<vmem>>
      %dma_wait3A_330 = arith.constant 0 : i32
      %dma_wait3A_331 = tpu.memref_slice %arg8[%dma_wait3A_326, %dma_wait3A_330] : memref<5x40xi32, #tpu.memory_space<vmem>> -> memref<1x40xi32, #tpu.memory_space<vmem>>
      %dma_wait3A_332 = tpu.memref_squeeze %dma_wait3A_331 : memref<1x40xi32, #tpu.memory_space<vmem>> -> memref<40xi32, #tpu.memory_space<vmem>>
      %dma_wait3A_333 = arith.constant 0 : i32
      %dma_wait3A_334 = arith.constant 0 : i32
      %dma_wait3A_335 = tpu.memref_slice %arg2[%dma_wait3A_333, %dma_wait3A_334] : memref<60000x128xf32, #tpu.memory_space<hbm>> -> memref<60000x128xf32, #tpu.memory_space<hbm>>
      tpu.wait_indirect_dma semaphore(%arg13 : memref<!tpu.dma_semaphore, #tpu.memory_space<semaphore_mem>>) src(%dma_wait3A_335 : memref<60000x128xf32, #tpu.memory_space<hbm>>) dst(%dma_wait3A_329 : memref<40x128xf32, #tpu.memory_space<vmem>>)
      %dma_start3A_336 = arith.constant 0 : i32
      %dma_start3A_337 = arith.constant 0 : i32
      %dma_start3A_338 = arith.constant 0 : i32
      %dma_start3A_339 = tpu.memref_slice %arg10[%dma_start3A_337, %dma_start3A_338] : memref<200x128xf32, #tpu.memory_space<vmem>> -> memref<40x128xf32, #tpu.memory_space<vmem>>
      %dma_start3A_340 = arith.constant 0 : i32
      %dma_start3A_341 = tpu.memref_slice %arg9[%dma_start3A_336, %dma_start3A_340] : memref<5x40xi32, #tpu.memory_space<vmem>> -> memref<1x40xi32, #tpu.memory_space<vmem>>
      %dma_start3A_342 = tpu.memref_squeeze %dma_start3A_341 : memref<1x40xi32, #tpu.memory_space<vmem>> -> memref<40xi32, #tpu.memory_space<vmem>>
      %dma_start3A_343 = arith.constant 0 : i32
      %dma_start3A_344 = arith.constant 0 : i32
      %dma_start3A_345 = tpu.memref_slice %arg16[%dma_start3A_343, %dma_start3A_344] : memref<10240x128xf32, #tpu.memory_space<vmem_shared>> -> memref<10240x128xf32, #tpu.memory_space<vmem_shared>>
      tpu.enqueue_indirect_dma source(%dma_start3A_339 : memref<40x128xf32, #tpu.memory_space<vmem>>) target(%dma_start3A_345 : memref<10240x128xf32, #tpu.memory_space<vmem_shared>>) offsets(%dma_start3A_342 : memref<40xi32, #tpu.memory_space<vmem>>) semaphore(%arg15 : memref<!tpu.dma_semaphore, #tpu.memory_space<semaphore_mem>>) {add = true}
      %dma_start3A_346 = arith.constant 0 : i32
      %dma_start3A_347 = arith.constant 0 : i32
      %dma_start3A_348 = tpu.memref_slice %arg11[%dma_start3A_347] : memref<48xf32, #tpu.memory_space<vmem>> -> memref<40xf32, #tpu.memory_space<vmem>>
      %dma_start3A_349 = arith.constant 0 : i32
      %dma_start3A_350 = tpu.memref_slice %arg9[%dma_start3A_346, %dma_start3A_349] : memref<5x40xi32, #tpu.memory_space<vmem>> -> memref<1x40xi32, #tpu.memory_space<vmem>>
      %dma_start3A_351 = tpu.memref_squeeze %dma_start3A_350 : memref<1x40xi32, #tpu.memory_space<vmem>> -> memref<40xi32, #tpu.memory_space<vmem>>
      %dma_start3A_352 = arith.constant 0 : i32
      %dma_start3A_353 = tpu.memref_slice %arg17[%dma_start3A_352] : memref<10240xf32, #tpu.memory_space<vmem_shared>> -> memref<10240xf32, #tpu.memory_space<vmem_shared>>
      tpu.enqueue_indirect_dma source(%dma_start3A_348 : memref<40xf32, #tpu.memory_space<vmem>>) target(%dma_start3A_353 : memref<10240xf32, #tpu.memory_space<vmem_shared>>) offsets(%dma_start3A_351 : memref<40xi32, #tpu.memory_space<vmem>>) semaphore(%arg15 : memref<!tpu.dma_semaphore, #tpu.memory_space<semaphore_mem>>) {add = true}
      %dma_start3A_354 = arith.constant 1 : i32
      %dma_start3A_355 = arith.constant 40 : i32
      %dma_start3A_356 = arith.constant 0 : i32
      %dma_start3A_357 = tpu.memref_slice %arg10[%dma_start3A_355, %dma_start3A_356] : memref<200x128xf32, #tpu.memory_space<vmem>> -> memref<40x128xf32, #tpu.memory_space<vmem>>
      %dma_start3A_358 = arith.constant 0 : i32
      %dma_start3A_359 = tpu.memref_slice %arg9[%dma_start3A_354, %dma_start3A_358] : memref<5x40xi32, #tpu.memory_space<vmem>> -> memref<1x40xi32, #tpu.memory_space<vmem>>
      %dma_start3A_360 = tpu.memref_squeeze %dma_start3A_359 : memref<1x40xi32, #tpu.memory_space<vmem>> -> memref<40xi32, #tpu.memory_space<vmem>>
      %dma_start3A_361 = arith.constant 0 : i32
      %dma_start3A_362 = arith.constant 0 : i32
      %dma_start3A_363 = tpu.memref_slice %arg16[%dma_start3A_361, %dma_start3A_362] : memref<10240x128xf32, #tpu.memory_space<vmem_shared>> -> memref<10240x128xf32, #tpu.memory_space<vmem_shared>>
      tpu.enqueue_indirect_dma source(%dma_start3A_357 : memref<40x128xf32, #tpu.memory_space<vmem>>) target(%dma_start3A_363 : memref<10240x128xf32, #tpu.memory_space<vmem_shared>>) offsets(%dma_start3A_360 : memref<40xi32, #tpu.memory_space<vmem>>) semaphore(%arg15 : memref<!tpu.dma_semaphore, #tpu.memory_space<semaphore_mem>>) {add = true}
      %dma_start3A_364 = arith.constant 1 : i32
      %dma_start3A_365 = arith.constant 0 : i32
      %dma_start3A_366 = tpu.memref_slice %arg11[%dma_start3A_365] : memref<48xf32, #tpu.memory_space<vmem>> -> memref<40xf32, #tpu.memory_space<vmem>>
      %dma_start3A_367 = arith.constant 0 : i32
      %dma_start3A_368 = tpu.memref_slice %arg9[%dma_start3A_364, %dma_start3A_367] : memref<5x40xi32, #tpu.memory_space<vmem>> -> memref<1x40xi32, #tpu.memory_space<vmem>>
      %dma_start3A_369 = tpu.memref_squeeze %dma_start3A_368 : memref<1x40xi32, #tpu.memory_space<vmem>> -> memref<40xi32, #tpu.memory_space<vmem>>
      %dma_start3A_370 = arith.constant 0 : i32
      %dma_start3A_371 = tpu.memref_slice %arg17[%dma_start3A_370] : memref<10240xf32, #tpu.memory_space<vmem_shared>> -> memref<10240xf32, #tpu.memory_space<vmem_shared>>
      tpu.enqueue_indirect_dma source(%dma_start3A_366 : memref<40xf32, #tpu.memory_space<vmem>>) target(%dma_start3A_371 : memref<10240xf32, #tpu.memory_space<vmem_shared>>) offsets(%dma_start3A_369 : memref<40xi32, #tpu.memory_space<vmem>>) semaphore(%arg15 : memref<!tpu.dma_semaphore, #tpu.memory_space<semaphore_mem>>) {add = true}
      %dma_start3A_372 = arith.constant 2 : i32
      %dma_start3A_373 = arith.constant 80 : i32
      %dma_start3A_374 = arith.constant 0 : i32
      %dma_start3A_375 = tpu.memref_slice %arg10[%dma_start3A_373, %dma_start3A_374] : memref<200x128xf32, #tpu.memory_space<vmem>> -> memref<40x128xf32, #tpu.memory_space<vmem>>
      %dma_start3A_376 = arith.constant 0 : i32
      %dma_start3A_377 = tpu.memref_slice %arg9[%dma_start3A_372, %dma_start3A_376] : memref<5x40xi32, #tpu.memory_space<vmem>> -> memref<1x40xi32, #tpu.memory_space<vmem>>
      %dma_start3A_378 = tpu.memref_squeeze %dma_start3A_377 : memref<1x40xi32, #tpu.memory_space<vmem>> -> memref<40xi32, #tpu.memory_space<vmem>>
      %dma_start3A_379 = arith.constant 0 : i32
      %dma_start3A_380 = arith.constant 0 : i32
      %dma_start3A_381 = tpu.memref_slice %arg16[%dma_start3A_379, %dma_start3A_380] : memref<10240x128xf32, #tpu.memory_space<vmem_shared>> -> memref<10240x128xf32, #tpu.memory_space<vmem_shared>>
      tpu.enqueue_indirect_dma source(%dma_start3A_375 : memref<40x128xf32, #tpu.memory_space<vmem>>) target(%dma_start3A_381 : memref<10240x128xf32, #tpu.memory_space<vmem_shared>>) offsets(%dma_start3A_378 : memref<40xi32, #tpu.memory_space<vmem>>) semaphore(%arg15 : memref<!tpu.dma_semaphore, #tpu.memory_space<semaphore_mem>>) {add = true}
      %dma_start3A_382 = arith.constant 2 : i32
      %dma_start3A_383 = arith.constant 0 : i32
      %dma_start3A_384 = tpu.memref_slice %arg11[%dma_start3A_383] : memref<48xf32, #tpu.memory_space<vmem>> -> memref<40xf32, #tpu.memory_space<vmem>>
      %dma_start3A_385 = arith.constant 0 : i32
      %dma_start3A_386 = tpu.memref_slice %arg9[%dma_start3A_382, %dma_start3A_385] : memref<5x40xi32, #tpu.memory_space<vmem>> -> memref<1x40xi32, #tpu.memory_space<vmem>>
      %dma_start3A_387 = tpu.memref_squeeze %dma_start3A_386 : memref<1x40xi32, #tpu.memory_space<vmem>> -> memref<40xi32, #tpu.memory_space<vmem>>
      %dma_start3A_388 = arith.constant 0 : i32
      %dma_start3A_389 = tpu.memref_slice %arg17[%dma_start3A_388] : memref<10240xf32, #tpu.memory_space<vmem_shared>> -> memref<10240xf32, #tpu.memory_space<vmem_shared>>
      tpu.enqueue_indirect_dma source(%dma_start3A_384 : memref<40xf32, #tpu.memory_space<vmem>>) target(%dma_start3A_389 : memref<10240xf32, #tpu.memory_space<vmem_shared>>) offsets(%dma_start3A_387 : memref<40xi32, #tpu.memory_space<vmem>>) semaphore(%arg15 : memref<!tpu.dma_semaphore, #tpu.memory_space<semaphore_mem>>) {add = true}
      %dma_start3A_390 = arith.constant 3 : i32
      %dma_start3A_391 = arith.constant 120 : i32
      %dma_start3A_392 = arith.constant 0 : i32
      %dma_start3A_393 = tpu.memref_slice %arg10[%dma_start3A_391, %dma_start3A_392] : memref<200x128xf32, #tpu.memory_space<vmem>> -> memref<40x128xf32, #tpu.memory_space<vmem>>
      %dma_start3A_394 = arith.constant 0 : i32
      %dma_start3A_395 = tpu.memref_slice %arg9[%dma_start3A_390, %dma_start3A_394] : memref<5x40xi32, #tpu.memory_space<vmem>> -> memref<1x40xi32, #tpu.memory_space<vmem>>
      %dma_start3A_396 = tpu.memref_squeeze %dma_start3A_395 : memref<1x40xi32, #tpu.memory_space<vmem>> -> memref<40xi32, #tpu.memory_space<vmem>>
      %dma_start3A_397 = arith.constant 0 : i32
      %dma_start3A_398 = arith.constant 0 : i32
      %dma_start3A_399 = tpu.memref_slice %arg16[%dma_start3A_397, %dma_start3A_398] : memref<10240x128xf32, #tpu.memory_space<vmem_shared>> -> memref<10240x128xf32, #tpu.memory_space<vmem_shared>>
      tpu.enqueue_indirect_dma source(%dma_start3A_393 : memref<40x128xf32, #tpu.memory_space<vmem>>) target(%dma_start3A_399 : memref<10240x128xf32, #tpu.memory_space<vmem_shared>>) offsets(%dma_start3A_396 : memref<40xi32, #tpu.memory_space<vmem>>) semaphore(%arg15 : memref<!tpu.dma_semaphore, #tpu.memory_space<semaphore_mem>>) {add = true}
      %dma_start3A_400 = arith.constant 3 : i32
      %dma_start3A_401 = arith.constant 0 : i32
      %dma_start3A_402 = tpu.memref_slice %arg11[%dma_start3A_401] : memref<48xf32, #tpu.memory_space<vmem>> -> memref<40xf32, #tpu.memory_space<vmem>>
      %dma_start3A_403 = arith.constant 0 : i32
      %dma_start3A_404 = tpu.memref_slice %arg9[%dma_start3A_400, %dma_start3A_403] : memref<5x40xi32, #tpu.memory_space<vmem>> -> memref<1x40xi32, #tpu.memory_space<vmem>>
      %dma_start3A_405 = tpu.memref_squeeze %dma_start3A_404 : memref<1x40xi32, #tpu.memory_space<vmem>> -> memref<40xi32, #tpu.memory_space<vmem>>
      %dma_start3A_406 = arith.constant 0 : i32
      %dma_start3A_407 = tpu.memref_slice %arg17[%dma_start3A_406] : memref<10240xf32, #tpu.memory_space<vmem_shared>> -> memref<10240xf32, #tpu.memory_space<vmem_shared>>
      tpu.enqueue_indirect_dma source(%dma_start3A_402 : memref<40xf32, #tpu.memory_space<vmem>>) target(%dma_start3A_407 : memref<10240xf32, #tpu.memory_space<vmem_shared>>) offsets(%dma_start3A_405 : memref<40xi32, #tpu.memory_space<vmem>>) semaphore(%arg15 : memref<!tpu.dma_semaphore, #tpu.memory_space<semaphore_mem>>) {add = true}
      %dma_start3A_408 = arith.constant 4 : i32
      %dma_start3A_409 = arith.constant 160 : i32
      %dma_start3A_410 = arith.constant 0 : i32
      %dma_start3A_411 = tpu.memref_slice %arg10[%dma_start3A_409, %dma_start3A_410] : memref<200x128xf32, #tpu.memory_space<vmem>> -> memref<40x128xf32, #tpu.memory_space<vmem>>
      %dma_start3A_412 = arith.constant 0 : i32
      %dma_start3A_413 = tpu.memref_slice %arg9[%dma_start3A_408, %dma_start3A_412] : memref<5x40xi32, #tpu.memory_space<vmem>> -> memref<1x40xi32, #tpu.memory_space<vmem>>
      %dma_start3A_414 = tpu.memref_squeeze %dma_start3A_413 : memref<1x40xi32, #tpu.memory_space<vmem>> -> memref<40xi32, #tpu.memory_space<vmem>>
      %dma_start3A_415 = arith.constant 0 : i32
      %dma_start3A_416 = arith.constant 0 : i32
      %dma_start3A_417 = tpu.memref_slice %arg16[%dma_start3A_415, %dma_start3A_416] : memref<10240x128xf32, #tpu.memory_space<vmem_shared>> -> memref<10240x128xf32, #tpu.memory_space<vmem_shared>>
      tpu.enqueue_indirect_dma source(%dma_start3A_411 : memref<40x128xf32, #tpu.memory_space<vmem>>) target(%dma_start3A_417 : memref<10240x128xf32, #tpu.memory_space<vmem_shared>>) offsets(%dma_start3A_414 : memref<40xi32, #tpu.memory_space<vmem>>) semaphore(%arg15 : memref<!tpu.dma_semaphore, #tpu.memory_space<semaphore_mem>>) {add = true}
      %dma_start3A_418 = arith.constant 4 : i32
      %dma_start3A_419 = arith.constant 0 : i32
      %dma_start3A_420 = tpu.memref_slice %arg11[%dma_start3A_419] : memref<48xf32, #tpu.memory_space<vmem>> -> memref<40xf32, #tpu.memory_space<vmem>>
      %dma_start3A_421 = arith.constant 0 : i32
      %dma_start3A_422 = tpu.memref_slice %arg9[%dma_start3A_418, %dma_start3A_421] : memref<5x40xi32, #tpu.memory_space<vmem>> -> memref<1x40xi32, #tpu.memory_space<vmem>>
      %dma_start3A_423 = tpu.memref_squeeze %dma_start3A_422 : memref<1x40xi32, #tpu.memory_space<vmem>> -> memref<40xi32, #tpu.memory_space<vmem>>
      %dma_start3A_424 = arith.constant 0 : i32
      %dma_start3A_425 = tpu.memref_slice %arg17[%dma_start3A_424] : memref<10240xf32, #tpu.memory_space<vmem_shared>> -> memref<10240xf32, #tpu.memory_space<vmem_shared>>
      tpu.enqueue_indirect_dma source(%dma_start3A_420 : memref<40xf32, #tpu.memory_space<vmem>>) target(%dma_start3A_425 : memref<10240xf32, #tpu.memory_space<vmem_shared>>) offsets(%dma_start3A_423 : memref<40xi32, #tpu.memory_space<vmem>>) semaphore(%arg15 : memref<!tpu.dma_semaphore, #tpu.memory_space<semaphore_mem>>) {add = true}
      %dma_wait3A_426 = arith.constant 0 : i32
      %dma_wait3A_427 = arith.constant 0 : i32
      %dma_wait3A_428 = arith.constant 0 : i32
      %dma_wait3A_429 = tpu.memref_slice %arg10[%dma_wait3A_427, %dma_wait3A_428] : memref<200x128xf32, #tpu.memory_space<vmem>> -> memref<40x128xf32, #tpu.memory_space<vmem>>
      %dma_wait3A_430 = arith.constant 0 : i32
      %dma_wait3A_431 = tpu.memref_slice %arg9[%dma_wait3A_426, %dma_wait3A_430] : memref<5x40xi32, #tpu.memory_space<vmem>> -> memref<1x40xi32, #tpu.memory_space<vmem>>
      %dma_wait3A_432 = tpu.memref_squeeze %dma_wait3A_431 : memref<1x40xi32, #tpu.memory_space<vmem>> -> memref<40xi32, #tpu.memory_space<vmem>>
      %dma_wait3A_433 = arith.constant 0 : i32
      %dma_wait3A_434 = arith.constant 0 : i32
      %dma_wait3A_435 = tpu.memref_slice %arg16[%dma_wait3A_433, %dma_wait3A_434] : memref<10240x128xf32, #tpu.memory_space<vmem_shared>> -> memref<10240x128xf32, #tpu.memory_space<vmem_shared>>
      tpu.wait_indirect_dma semaphore(%arg15 : memref<!tpu.dma_semaphore, #tpu.memory_space<semaphore_mem>>) src(%dma_wait3A_429 : memref<40x128xf32, #tpu.memory_space<vmem>>) dst(%dma_wait3A_435 : memref<10240x128xf32, #tpu.memory_space<vmem_shared>>)
      %dma_wait3A_436 = arith.constant 0 : i32
      %dma_wait3A_437 = arith.constant 0 : i32
      %dma_wait3A_438 = tpu.memref_slice %arg11[%dma_wait3A_437] : memref<48xf32, #tpu.memory_space<vmem>> -> memref<40xf32, #tpu.memory_space<vmem>>
      %dma_wait3A_439 = arith.constant 0 : i32
      %dma_wait3A_440 = tpu.memref_slice %arg9[%dma_wait3A_436, %dma_wait3A_439] : memref<5x40xi32, #tpu.memory_space<vmem>> -> memref<1x40xi32, #tpu.memory_space<vmem>>
      %dma_wait3A_441 = tpu.memref_squeeze %dma_wait3A_440 : memref<1x40xi32, #tpu.memory_space<vmem>> -> memref<40xi32, #tpu.memory_space<vmem>>
      %dma_wait3A_442 = arith.constant 0 : i32
      %dma_wait3A_443 = tpu.memref_slice %arg17[%dma_wait3A_442] : memref<10240xf32, #tpu.memory_space<vmem_shared>> -> memref<10240xf32, #tpu.memory_space<vmem_shared>>
      tpu.wait_indirect_dma semaphore(%arg15 : memref<!tpu.dma_semaphore, #tpu.memory_space<semaphore_mem>>) src(%dma_wait3A_438 : memref<40xf32, #tpu.memory_space<vmem>>) dst(%dma_wait3A_443 : memref<10240xf32, #tpu.memory_space<vmem_shared>>)
      %dma_wait3A_444 = arith.constant 1 : i32
      %dma_wait3A_445 = arith.constant 40 : i32
      %dma_wait3A_446 = arith.constant 0 : i32
      %dma_wait3A_447 = tpu.memref_slice %arg10[%dma_wait3A_445, %dma_wait3A_446] : memref<200x128xf32, #tpu.memory_space<vmem>> -> memref<40x128xf32, #tpu.memory_space<vmem>>
      %dma_wait3A_448 = arith.constant 0 : i32
      %dma_wait3A_449 = tpu.memref_slice %arg9[%dma_wait3A_444, %dma_wait3A_448] : memref<5x40xi32, #tpu.memory_space<vmem>> -> memref<1x40xi32, #tpu.memory_space<vmem>>
      %dma_wait3A_450 = tpu.memref_squeeze %dma_wait3A_449 : memref<1x40xi32, #tpu.memory_space<vmem>> -> memref<40xi32, #tpu.memory_space<vmem>>
      %dma_wait3A_451 = arith.constant 0 : i32
      %dma_wait3A_452 = arith.constant 0 : i32
      %dma_wait3A_453 = tpu.memref_slice %arg16[%dma_wait3A_451, %dma_wait3A_452] : memref<10240x128xf32, #tpu.memory_space<vmem_shared>> -> memref<10240x128xf32, #tpu.memory_space<vmem_shared>>
      tpu.wait_indirect_dma semaphore(%arg15 : memref<!tpu.dma_semaphore, #tpu.memory_space<semaphore_mem>>) src(%dma_wait3A_447 : memref<40x128xf32, #tpu.memory_space<vmem>>) dst(%dma_wait3A_453 : memref<10240x128xf32, #tpu.memory_space<vmem_shared>>)
      %dma_wait3A_454 = arith.constant 1 : i32
      %dma_wait3A_455 = arith.constant 0 : i32
      %dma_wait3A_456 = tpu.memref_slice %arg11[%dma_wait3A_455] : memref<48xf32, #tpu.memory_space<vmem>> -> memref<40xf32, #tpu.memory_space<vmem>>
      %dma_wait3A_457 = arith.constant 0 : i32
      %dma_wait3A_458 = tpu.memref_slice %arg9[%dma_wait3A_454, %dma_wait3A_457] : memref<5x40xi32, #tpu.memory_space<vmem>> -> memref<1x40xi32, #tpu.memory_space<vmem>>
      %dma_wait3A_459 = tpu.memref_squeeze %dma_wait3A_458 : memref<1x40xi32, #tpu.memory_space<vmem>> -> memref<40xi32, #tpu.memory_space<vmem>>
      %dma_wait3A_460 = arith.constant 0 : i32
      %dma_wait3A_461 = tpu.memref_slice %arg17[%dma_wait3A_460] : memref<10240xf32, #tpu.memory_space<vmem_shared>> -> memref<10240xf32, #tpu.memory_space<vmem_shared>>
      tpu.wait_indirect_dma semaphore(%arg15 : memref<!tpu.dma_semaphore, #tpu.memory_space<semaphore_mem>>) src(%dma_wait3A_456 : memref<40xf32, #tpu.memory_space<vmem>>) dst(%dma_wait3A_461 : memref<10240xf32, #tpu.memory_space<vmem_shared>>)
      %dma_wait3A_462 = arith.constant 2 : i32
      %dma_wait3A_463 = arith.constant 80 : i32
      %dma_wait3A_464 = arith.constant 0 : i32
      %dma_wait3A_465 = tpu.memref_slice %arg10[%dma_wait3A_463, %dma_wait3A_464] : memref<200x128xf32, #tpu.memory_space<vmem>> -> memref<40x128xf32, #tpu.memory_space<vmem>>
      %dma_wait3A_466 = arith.constant 0 : i32
      %dma_wait3A_467 = tpu.memref_slice %arg9[%dma_wait3A_462, %dma_wait3A_466] : memref<5x40xi32, #tpu.memory_space<vmem>> -> memref<1x40xi32, #tpu.memory_space<vmem>>
      %dma_wait3A_468 = tpu.memref_squeeze %dma_wait3A_467 : memref<1x40xi32, #tpu.memory_space<vmem>> -> memref<40xi32, #tpu.memory_space<vmem>>
      %dma_wait3A_469 = arith.constant 0 : i32
      %dma_wait3A_470 = arith.constant 0 : i32
      %dma_wait3A_471 = tpu.memref_slice %arg16[%dma_wait3A_469, %dma_wait3A_470] : memref<10240x128xf32, #tpu.memory_space<vmem_shared>> -> memref<10240x128xf32, #tpu.memory_space<vmem_shared>>
      tpu.wait_indirect_dma semaphore(%arg15 : memref<!tpu.dma_semaphore, #tpu.memory_space<semaphore_mem>>) src(%dma_wait3A_465 : memref<40x128xf32, #tpu.memory_space<vmem>>) dst(%dma_wait3A_471 : memref<10240x128xf32, #tpu.memory_space<vmem_shared>>)
      %dma_wait3A_472 = arith.constant 2 : i32
      %dma_wait3A_473 = arith.constant 0 : i32
      %dma_wait3A_474 = tpu.memref_slice %arg11[%dma_wait3A_473] : memref<48xf32, #tpu.memory_space<vmem>> -> memref<40xf32, #tpu.memory_space<vmem>>
      %dma_wait3A_475 = arith.constant 0 : i32
      %dma_wait3A_476 = tpu.memref_slice %arg9[%dma_wait3A_472, %dma_wait3A_475] : memref<5x40xi32, #tpu.memory_space<vmem>> -> memref<1x40xi32, #tpu.memory_space<vmem>>
      %dma_wait3A_477 = tpu.memref_squeeze %dma_wait3A_476 : memref<1x40xi32, #tpu.memory_space<vmem>> -> memref<40xi32, #tpu.memory_space<vmem>>
      %dma_wait3A_478 = arith.constant 0 : i32
      %dma_wait3A_479 = tpu.memref_slice %arg17[%dma_wait3A_478] : memref<10240xf32, #tpu.memory_space<vmem_shared>> -> memref<10240xf32, #tpu.memory_space<vmem_shared>>
      tpu.wait_indirect_dma semaphore(%arg15 : memref<!tpu.dma_semaphore, #tpu.memory_space<semaphore_mem>>) src(%dma_wait3A_474 : memref<40xf32, #tpu.memory_space<vmem>>) dst(%dma_wait3A_479 : memref<10240xf32, #tpu.memory_space<vmem_shared>>)
      %dma_wait3A_480 = arith.constant 3 : i32
      %dma_wait3A_481 = arith.constant 120 : i32
      %dma_wait3A_482 = arith.constant 0 : i32
      %dma_wait3A_483 = tpu.memref_slice %arg10[%dma_wait3A_481, %dma_wait3A_482] : memref<200x128xf32, #tpu.memory_space<vmem>> -> memref<40x128xf32, #tpu.memory_space<vmem>>
      %dma_wait3A_484 = arith.constant 0 : i32
      %dma_wait3A_485 = tpu.memref_slice %arg9[%dma_wait3A_480, %dma_wait3A_484] : memref<5x40xi32, #tpu.memory_space<vmem>> -> memref<1x40xi32, #tpu.memory_space<vmem>>
      %dma_wait3A_486 = tpu.memref_squeeze %dma_wait3A_485 : memref<1x40xi32, #tpu.memory_space<vmem>> -> memref<40xi32, #tpu.memory_space<vmem>>
      %dma_wait3A_487 = arith.constant 0 : i32
      %dma_wait3A_488 = arith.constant 0 : i32
      %dma_wait3A_489 = tpu.memref_slice %arg16[%dma_wait3A_487, %dma_wait3A_488] : memref<10240x128xf32, #tpu.memory_space<vmem_shared>> -> memref<10240x128xf32, #tpu.memory_space<vmem_shared>>
      tpu.wait_indirect_dma semaphore(%arg15 : memref<!tpu.dma_semaphore, #tpu.memory_space<semaphore_mem>>) src(%dma_wait3A_483 : memref<40x128xf32, #tpu.memory_space<vmem>>) dst(%dma_wait3A_489 : memref<10240x128xf32, #tpu.memory_space<vmem_shared>>)
      %dma_wait3A_490 = arith.constant 3 : i32
      %dma_wait3A_491 = arith.constant 0 : i32
      %dma_wait3A_492 = tpu.memref_slice %arg11[%dma_wait3A_491] : memref<48xf32, #tpu.memory_space<vmem>> -> memref<40xf32, #tpu.memory_space<vmem>>
      %dma_wait3A_493 = arith.constant 0 : i32
      %dma_wait3A_494 = tpu.memref_slice %arg9[%dma_wait3A_490, %dma_wait3A_493] : memref<5x40xi32, #tpu.memory_space<vmem>> -> memref<1x40xi32, #tpu.memory_space<vmem>>
      %dma_wait3A_495 = tpu.memref_squeeze %dma_wait3A_494 : memref<1x40xi32, #tpu.memory_space<vmem>> -> memref<40xi32, #tpu.memory_space<vmem>>
      %dma_wait3A_496 = arith.constant 0 : i32
      %dma_wait3A_497 = tpu.memref_slice %arg17[%dma_wait3A_496] : memref<10240xf32, #tpu.memory_space<vmem_shared>> -> memref<10240xf32, #tpu.memory_space<vmem_shared>>
      tpu.wait_indirect_dma semaphore(%arg15 : memref<!tpu.dma_semaphore, #tpu.memory_space<semaphore_mem>>) src(%dma_wait3A_492 : memref<40xf32, #tpu.memory_space<vmem>>) dst(%dma_wait3A_497 : memref<10240xf32, #tpu.memory_space<vmem_shared>>)
      %dma_wait3A_498 = arith.constant 4 : i32
      %dma_wait3A_499 = arith.constant 160 : i32
      %dma_wait3A_500 = arith.constant 0 : i32
      %dma_wait3A_501 = tpu.memref_slice %arg10[%dma_wait3A_499, %dma_wait3A_500] : memref<200x128xf32, #tpu.memory_space<vmem>> -> memref<40x128xf32, #tpu.memory_space<vmem>>
      %dma_wait3A_502 = arith.constant 0 : i32
      %dma_wait3A_503 = tpu.memref_slice %arg9[%dma_wait3A_498, %dma_wait3A_502] : memref<5x40xi32, #tpu.memory_space<vmem>> -> memref<1x40xi32, #tpu.memory_space<vmem>>
      %dma_wait3A_504 = tpu.memref_squeeze %dma_wait3A_503 : memref<1x40xi32, #tpu.memory_space<vmem>> -> memref<40xi32, #tpu.memory_space<vmem>>
      %dma_wait3A_505 = arith.constant 0 : i32
      %dma_wait3A_506 = arith.constant 0 : i32
      %dma_wait3A_507 = tpu.memref_slice %arg16[%dma_wait3A_505, %dma_wait3A_506] : memref<10240x128xf32, #tpu.memory_space<vmem_shared>> -> memref<10240x128xf32, #tpu.memory_space<vmem_shared>>
      tpu.wait_indirect_dma semaphore(%arg15 : memref<!tpu.dma_semaphore, #tpu.memory_space<semaphore_mem>>) src(%dma_wait3A_501 : memref<40x128xf32, #tpu.memory_space<vmem>>) dst(%dma_wait3A_507 : memref<10240x128xf32, #tpu.memory_space<vmem_shared>>)
      %dma_wait3A_508 = arith.constant 4 : i32
      %dma_wait3A_509 = arith.constant 0 : i32
      %dma_wait3A_510 = tpu.memref_slice %arg11[%dma_wait3A_509] : memref<48xf32, #tpu.memory_space<vmem>> -> memref<40xf32, #tpu.memory_space<vmem>>
      %dma_wait3A_511 = arith.constant 0 : i32
      %dma_wait3A_512 = tpu.memref_slice %arg9[%dma_wait3A_508, %dma_wait3A_511] : memref<5x40xi32, #tpu.memory_space<vmem>> -> memref<1x40xi32, #tpu.memory_space<vmem>>
      %dma_wait3A_513 = tpu.memref_squeeze %dma_wait3A_512 : memref<1x40xi32, #tpu.memory_space<vmem>> -> memref<40xi32, #tpu.memory_space<vmem>>
      %dma_wait3A_514 = arith.constant 0 : i32
      %dma_wait3A_515 = tpu.memref_slice %arg17[%dma_wait3A_514] : memref<10240xf32, #tpu.memory_space<vmem_shared>> -> memref<10240xf32, #tpu.memory_space<vmem_shared>>
      tpu.wait_indirect_dma semaphore(%arg15 : memref<!tpu.dma_semaphore, #tpu.memory_space<semaphore_mem>>) src(%dma_wait3A_510 : memref<40xf32, #tpu.memory_space<vmem>>) dst(%dma_wait3A_515 : memref<10240xf32, #tpu.memory_space<vmem_shared>>)
    }
    %scan3A_27 = arith.constant 50 : i32
    %barrier3A_28 = arith.constant 0 : index
    tpu.barrier barrier_id(%barrier3A_28)
    "tpu.region"() ({
      %run_scoped3A = tpu.sem_alloc : memref<!tpu.dma_semaphore, #tpu.memory_space<semaphore_mem>>
      %dma_start3A = arith.constant 0 : i32
      %dma_start3A_32 = tpu.memref_slice %arg6[%arg0, %mul3A_22, %dma_start3A] : memref<2x10240x128xf32, #tpu.memory_space<hbm>> -> memref<1x640x128xf32, #tpu.memory_space<hbm>>
      %dma_start3A_33 = tpu.memref_squeeze %dma_start3A_32 : memref<1x640x128xf32, #tpu.memory_space<hbm>> -> memref<640x128xf32, #tpu.memory_space<hbm>>
      %dma_start3A_34 = arith.constant 0 : i32
      %dma_start3A_35 = tpu.memref_slice %arg16[%mul3A_22, %dma_start3A_34] : memref<10240x128xf32, #tpu.memory_space<vmem_shared>> -> memref<640x128xf32, #tpu.memory_space<vmem_shared>>
      tpu.enqueue_dma source(%dma_start3A_35 : memref<640x128xf32, #tpu.memory_space<vmem_shared>>) target(%dma_start3A_33 : memref<640x128xf32, #tpu.memory_space<hbm>>) target_semaphore(%run_scoped3A : memref<!tpu.dma_semaphore, #tpu.memory_space<semaphore_mem>>)
      %dma_wait3A = arith.constant 0 : i32
      %dma_wait3A_36 = tpu.memref_slice %arg6[%arg0, %mul3A_22, %dma_wait3A] : memref<2x10240x128xf32, #tpu.memory_space<hbm>> -> memref<1x640x128xf32, #tpu.memory_space<hbm>>
      %dma_wait3A_37 = tpu.memref_squeeze %dma_wait3A_36 : memref<1x640x128xf32, #tpu.memory_space<hbm>> -> memref<640x128xf32, #tpu.memory_space<hbm>>
      %dma_wait3A_38 = arith.constant 0 : i32
      %dma_wait3A_39 = tpu.memref_slice %arg16[%mul3A_22, %dma_wait3A_38] : memref<10240x128xf32, #tpu.memory_space<vmem_shared>> -> memref<640x128xf32, #tpu.memory_space<vmem_shared>>
      tpu.wait_dma2 semaphore(%run_scoped3A : memref<!tpu.dma_semaphore, #tpu.memory_space<semaphore_mem>>) src(%dma_wait3A_39 : memref<640x128xf32, #tpu.memory_space<vmem_shared>>) dst(%dma_wait3A_37 : memref<640x128xf32, #tpu.memory_space<hbm>>)
      tpu.yield
    }) : () -> ()
    %mul3A_29 = arith.constant 10240 : i32
    %mul3A_30 = arith.muli %arg0, %mul3A_29 : i32
    %add3A_31 = arith.addi %mul3A_30, %mul3A_22 : i32
    "tpu.region"() ({
      %run_scoped3A = tpu.sem_alloc : memref<!tpu.dma_semaphore, #tpu.memory_space<semaphore_mem>>
      %dma_start3A = tpu.memref_slice %arg7[%add3A_31] : memref<20480xf32, #tpu.memory_space<hbm>> -> memref<640xf32, #tpu.memory_space<hbm>>
      %dma_start3A_32 = tpu.memref_slice %arg17[%mul3A_22] : memref<10240xf32, #tpu.memory_space<vmem_shared>> -> memref<640xf32, #tpu.memory_space<vmem_shared>>
      tpu.enqueue_dma source(%dma_start3A_32 : memref<640xf32, #tpu.memory_space<vmem_shared>>) target(%dma_start3A : memref<640xf32, #tpu.memory_space<hbm>>) target_semaphore(%run_scoped3A : memref<!tpu.dma_semaphore, #tpu.memory_space<semaphore_mem>>)
      %dma_wait3A = tpu.memref_slice %arg7[%add3A_31] : memref<20480xf32, #tpu.memory_space<hbm>> -> memref<640xf32, #tpu.memory_space<hbm>>
      %dma_wait3A_33 = tpu.memref_slice %arg17[%mul3A_22] : memref<10240xf32, #tpu.memory_space<vmem_shared>> -> memref<640xf32, #tpu.memory_space<vmem_shared>>
      tpu.wait_dma2 semaphore(%run_scoped3A : memref<!tpu.dma_semaphore, #tpu.memory_space<semaphore_mem>>) src(%dma_wait3A_33 : memref<640xf32, #tpu.memory_space<vmem_shared>>) dst(%dma_wait3A : memref<640xf32, #tpu.memory_space<hbm>>)
      tpu.yield
    }) : () -> ()
    return
  }
}

module attributes {stable_mosaic.version = 14 : i64} {
  func.func @_gidx_body(%arg0: i32, %arg1: memref<2500x128xi32, #tpu.memory_space<vmem>>, %arg2: memref<2500x128xi32, #tpu.memory_space<vmem>>, %arg3: memref<2500x128xi32, #tpu.memory_space<vmem>>) attributes {dimension_semantics = [#tpu.dimension_semantics<arbitrary>], iteration_bounds = array<i64: 1>, scalar_prefetch = 0 : i64, scratch_operands = 0 : i64, tpu.core_type = #tpu.core_type<tc>, window_params = [{pipeline_mode = #tpu.pipeline_mode<synchronous>, transform_indices = @transform_0, window_bounds = array<i64: 2500, 128>}, {pipeline_mode = #tpu.pipeline_mode<synchronous>, transform_indices = @transform_1, window_bounds = array<i64: 2500, 128>}, {pipeline_mode = #tpu.pipeline_mode<synchronous>, transform_indices = @transform_2, window_bounds = array<i64: 2500, 128>}]} {
    %get3A = arith.constant 0 : index
    %get3A_0 = arith.constant 0 : index
    %get3A_1 = vector.load %arg2[%get3A, %get3A_0] : memref<2500x128xi32, #tpu.memory_space<vmem>>, vector<2500x128xi32>
    %mul3A = arith.constant 10000 : i32
    %mul3A_2 = vector.broadcast %mul3A : i32 to vector<2500x128xi32>
    %mul3A_3 = arith.muli %get3A_1, %mul3A_2 : vector<2500x128xi32>
    %get3A_4 = arith.constant 0 : index
    %get3A_5 = arith.constant 0 : index
    %get3A_6 = vector.load %arg1[%get3A_4, %get3A_5] : memref<2500x128xi32, #tpu.memory_space<vmem>>, vector<2500x128xi32>
    %add3A = arith.addi %mul3A_3, %get3A_6 : vector<2500x128xi32>
    %swap3A = arith.constant 0 : index
    %swap3A_7 = arith.constant 0 : index
    %swap3A_8 = vector.load %arg3[%swap3A, %swap3A_7] : memref<2500x128xi32, #tpu.memory_space<vmem>>, vector<2500x128xi32>
    tpu.vector_store %arg3[%swap3A, %swap3A_7], %add3A {strides = array<i32>} : memref<2500x128xi32, #tpu.memory_space<vmem>>, vector<2500x128xi32>,
    return
  }
  func.func @transform_0(%arg0: i32) -> (i32, i32) {
    %c0_i32 = arith.constant 0 : i32
    %c0_i32_0 = arith.constant 0 : i32
    %c0_i32_1 = arith.constant 0 : i32
    return %c0_i32, %c0_i32_0 : i32, i32
  }
  func.func @transform_1(%arg0: i32) -> (i32, i32) {
    %c0_i32 = arith.constant 0 : i32
    %c0_i32_0 = arith.constant 0 : i32
    %c0_i32_1 = arith.constant 0 : i32
    return %c0_i32, %c0_i32_0 : i32, i32
  }
  func.func @transform_2(%arg0: i32) -> (i32, i32) {
    %c0_i32 = arith.constant 0 : i32
    %c0_i32_0 = arith.constant 0 : i32
    %c0_i32_1 = arith.constant 0 : i32
    return %c0_i32, %c0_i32_0 : i32, i32
  }
}

module attributes {stable_mosaic.version = 14 : i64} {
  func.func @_table_body(%arg0: i32, %arg1: i32, %arg2: memref<1x128x128xf32, #tpu.memory_space<vmem>>, %arg3: memref<2000x128xf32, #tpu.memory_space<vmem>>, %arg4: memref<1x2000x128xf32, #tpu.memory_space<vmem>>) attributes {dimension_semantics = [#tpu.dimension_semantics<arbitrary>, #tpu.dimension_semantics<arbitrary>], iteration_bounds = array<i64: 6, 5>, scalar_prefetch = 0 : i64, scratch_operands = 0 : i64, tpu.core_type = #tpu.core_type<tc>, window_params = [{transform_indices = @transform_0, window_bounds = array<i64: 1, 128, 128>}, {transform_indices = @transform_1, window_bounds = array<i64: 2000, 128>}, {transform_indices = @transform_2, window_bounds = array<i64: 1, 2000, 128>}]} {
    %get3A = arith.constant 0 : index
    %get3A_0 = arith.constant 0 : index
    %get3A_1 = vector.load %arg3[%get3A, %get3A_0] : memref<2000x128xf32, #tpu.memory_space<vmem>>, vector<2000x128xf32>
    %get3A_2 = arith.constant 0 : index
    %get3A_3 = arith.constant 0 : index
    %get3A_4 = arith.constant 0 : index
    %get3A_5 = vector.load %arg2[%get3A_2, %get3A_3, %get3A_4] : memref<1x128x128xf32, #tpu.memory_space<vmem>>, vector<1x128x128xf32>
    %get3A_6 = vector.shape_cast %get3A_5 : vector<1x128x128xf32> to vector<128x128xf32>
    %dot_general3A = arith.constant dense<0.000000e+00> : vector<2000x128xf32>
    %dot_general3A_7 = tpu.matmul %get3A_1, %get3A_6, %dot_general3A {dimension_numbers = #tpu.dot_dimension_numbers<[1], [1], [0], [0], [0, 0, 1, 0], [], []>, transpose_lhs_hint = false} : vector<2000x128xf32>, vector<128x128xf32>, vector<2000x128xf32> -> vector<2000x128xf32>
    %broadcast_in_dim3A = vector.shape_cast %dot_general3A_7 : vector<2000x128xf32> to vector<1x2000x128xf32>
    %swap3A = arith.constant 0 : index
    %swap3A_8 = arith.constant 0 : index
    %swap3A_9 = arith.constant 0 : index
    %swap3A_10 = vector.load %arg4[%swap3A, %swap3A_8, %swap3A_9] : memref<1x2000x128xf32, #tpu.memory_space<vmem>>, vector<1x2000x128xf32>
    tpu.vector_store %arg4[%swap3A, %swap3A_8, %swap3A_9], %broadcast_in_dim3A {strides = array<i32>} : memref<1x2000x128xf32, #tpu.memory_space<vmem>>, vector<1x2000x128xf32>,
    return
  }
  func.func @transform_0(%arg0: i32, %arg1: i32) -> (i32, i32, i32) {
    %c0_i32 = arith.constant 0 : i32
    %c0_i32_0 = arith.constant 0 : i32
    %c0_i32_1 = arith.constant 0 : i32
    return %arg0, %c0_i32, %c0_i32_0 : i32, i32, i32
  }
  func.func @transform_1(%arg0: i32, %arg1: i32) -> (i32, i32) {
    %c0_i32 = arith.constant 0 : i32
    %c0_i32_0 = arith.constant 0 : i32
    return %arg1, %c0_i32 : i32, i32
  }
  func.func @transform_2(%arg0: i32, %arg1: i32) -> (i32, i32, i32) {
    %c0_i32 = arith.constant 0 : i32
    %c0_i32_0 = arith.constant 0 : i32
    return %arg0, %arg1, %c0_i32 : i32, i32, i32
  }
}

module attributes {stable_mosaic.version = 14 : i64} {
  func.func @_final_body(%arg0: i32, %arg1: memref<2x1024x128xf32, #tpu.memory_space<vmem>>, %arg2: memref<2x1024x1xf32, #tpu.memory_space<vmem>>, %arg3: memref<1024x128xf32, #tpu.memory_space<vmem>>, %arg4: memref<128x128xf32, #tpu.memory_space<vmem>>, %arg5: memref<128x128xf32, #tpu.memory_space<vmem>>, %arg6: memref<1x128xf32, #tpu.memory_space<vmem>>, %arg7: memref<1024x128xf32, #tpu.memory_space<vmem>>) attributes {dimension_semantics = [#tpu.dimension_semantics<arbitrary>], iteration_bounds = array<i64: 10>, scalar_prefetch = 0 : i64, scratch_operands = 0 : i64, tpu.core_type = #tpu.core_type<tc>, window_params = [{transform_indices = @transform_0, window_bounds = array<i64: 2, 1024, 128>}, {transform_indices = @transform_1, window_bounds = array<i64: 2, 1024, 1>}, {transform_indices = @transform_2, window_bounds = array<i64: 1024, 128>}, {pipeline_mode = #tpu.pipeline_mode<synchronous>, transform_indices = @transform_3, window_bounds = array<i64: 128, 128>}, {pipeline_mode = #tpu.pipeline_mode<synchronous>, transform_indices = @transform_4, window_bounds = array<i64: 128, 128>}, {pipeline_mode = #tpu.pipeline_mode<synchronous>, transform_indices = @transform_5, window_bounds = array<i64: 1, 128>}, {transform_indices = @transform_6, window_bounds = array<i64: 1024, 128>}]} {
    %get3A = arith.constant 0 : index
    %get3A_0 = arith.constant 0 : index
    %get3A_1 = arith.constant 0 : index
    %get3A_2 = vector.load %arg1[%get3A, %get3A_0, %get3A_1] : memref<2x1024x128xf32, #tpu.memory_space<vmem>>, vector<1x1024x128xf32>
    %get3A_3 = vector.shape_cast %get3A_2 : vector<1x1024x128xf32> to vector<1024x128xf32>
    %get3A_4 = arith.constant 1 : index
    %get3A_5 = arith.constant 0 : index
    %get3A_6 = arith.constant 0 : index
    %get3A_7 = vector.load %arg1[%get3A_4, %get3A_5, %get3A_6] : memref<2x1024x128xf32, #tpu.memory_space<vmem>>, vector<1x1024x128xf32>
    %get3A_8 = vector.shape_cast %get3A_7 : vector<1x1024x128xf32> to vector<1024x128xf32>
    %add3A = arith.addf %get3A_3, %get3A_8 : vector<1024x128xf32>
    %get3A_9 = arith.constant 0 : index
    %get3A_10 = arith.constant 0 : index
    %get3A_11 = arith.constant 0 : index
    %get3A_12 = vector.load %arg2[%get3A_9, %get3A_10, %get3A_11] : memref<2x1024x1xf32, #tpu.memory_space<vmem>>, vector<1x1024x1xf32>
    %get3A_13 = vector.shape_cast %get3A_12 : vector<1x1024x1xf32> to vector<1024x1xf32>
    %get3A_14 = arith.constant 1 : index
    %get3A_15 = arith.constant 0 : index
    %get3A_16 = arith.constant 0 : index
    %get3A_17 = vector.load %arg2[%get3A_14, %get3A_15, %get3A_16] : memref<2x1024x1xf32, #tpu.memory_space<vmem>>, vector<1x1024x1xf32>
    %get3A_18 = vector.shape_cast %get3A_17 : vector<1x1024x1xf32> to vector<1024x1xf32>
    %add3A_19 = arith.addf %get3A_13, %get3A_18 : vector<1024x1xf32>
    %max3A = arith.constant 1.000000e+00 : f32
    %max3A_20 = vector.broadcast %max3A : f32 to vector<1024x1xf32>
    %max3A_21 = arith.maximumf %add3A_19, %max3A_20 : vector<1024x1xf32>
    %div3A = vector.broadcast %max3A_21 : vector<1024x1xf32> to vector<1024x128xf32>
    %div3A_22 = arith.divf %add3A, %div3A : vector<1024x128xf32>
    %get3A_23 = arith.constant 0 : index
    %get3A_24 = arith.constant 0 : index
    %get3A_25 = vector.load %arg3[%get3A_23, %get3A_24] : memref<1024x128xf32, #tpu.memory_space<vmem>>, vector<1024x128xf32>
    %get3A_26 = arith.constant 0 : index
    %get3A_27 = arith.constant 0 : index
    %get3A_28 = vector.load %arg4[%get3A_26, %get3A_27] : memref<128x128xf32, #tpu.memory_space<vmem>>, vector<128x128xf32>
    %dot_general3A = arith.constant dense<0.000000e+00> : vector<1024x128xf32>
    %dot_general3A_29 = tpu.matmul %get3A_25, %get3A_28, %dot_general3A {dimension_numbers = #tpu.dot_dimension_numbers<[1], [1], [0], [0], [0, 0, 1, 0], [], []>, transpose_lhs_hint = false} : vector<1024x128xf32>, vector<128x128xf32>, vector<1024x128xf32> -> vector<1024x128xf32>
    %get3A_30 = arith.constant 0 : index
    %get3A_31 = arith.constant 0 : index
    %get3A_32 = vector.load %arg5[%get3A_30, %get3A_31] : memref<128x128xf32, #tpu.memory_space<vmem>>, vector<128x128xf32>
    %dot_general3A_33 = arith.constant dense<0.000000e+00> : vector<1024x128xf32>
    %dot_general3A_34 = tpu.matmul %div3A_22, %get3A_32, %dot_general3A_33 {dimension_numbers = #tpu.dot_dimension_numbers<[1], [1], [0], [0], [0, 0, 1, 0], [], []>, transpose_lhs_hint = false} : vector<1024x128xf32>, vector<128x128xf32>, vector<1024x128xf32> -> vector<1024x128xf32>
    %add3A_35 = arith.addf %dot_general3A_29, %dot_general3A_34 : vector<1024x128xf32>
    %get3A_36 = arith.constant 0 : index
    %get3A_37 = arith.constant 0 : index
    %get3A_38 = vector.load %arg6[%get3A_36, %get3A_37] : memref<1x128xf32, #tpu.memory_space<vmem>>, vector<1x128xf32>
    %add3A_39 = vector.broadcast %get3A_38 : vector<1x128xf32> to vector<1024x128xf32>
    %add3A_40 = arith.addf %add3A_35, %add3A_39 : vector<1024x128xf32>
    %max3A_41 = arith.constant 0.000000e+00 : f32
    %max3A_42 = vector.broadcast %max3A_41 : f32 to vector<1024x128xf32>
    %max3A_43 = arith.maximumf %add3A_40, %max3A_42 : vector<1024x128xf32>
    %swap3A = arith.constant 0 : index
    %swap3A_44 = arith.constant 0 : index
    %swap3A_45 = vector.load %arg7[%swap3A, %swap3A_44] : memref<1024x128xf32, #tpu.memory_space<vmem>>, vector<1024x128xf32>
    tpu.vector_store %arg7[%swap3A, %swap3A_44], %max3A_43 {strides = array<i32>} : memref<1024x128xf32, #tpu.memory_space<vmem>>, vector<1024x128xf32>,
    return
  }
  func.func @transform_0(%arg0: i32) -> (i32, i32, i32) {
    %c0_i32 = arith.constant 0 : i32
    %c0_i32_0 = arith.constant 0 : i32
    %c0_i32_1 = arith.constant 0 : i32
    return %c0_i32, %arg0, %c0_i32_0 : i32, i32, i32
  }
  func.func @transform_1(%arg0: i32) -> (i32, i32, i32) {
    %c0_i32 = arith.constant 0 : i32
    %c0_i32_0 = arith.constant 0 : i32
    %c0_i32_1 = arith.constant 0 : i32
    return %c0_i32, %arg0, %c0_i32_0 : i32, i32, i32
  }
  func.func @transform_2(%arg0: i32) -> (i32, i32) {
    %c0_i32 = arith.constant 0 : i32
    %c0_i32_0 = arith.constant 0 : i32
    return %arg0, %c0_i32 : i32, i32
  }
  func.func @transform_3(%arg0: i32) -> (i32, i32) {
    %c0_i32 = arith.constant 0 : i32
    %c0_i32_0 = arith.constant 0 : i32
    %c0_i32_1 = arith.constant 0 : i32
    return %c0_i32, %c0_i32_0 : i32, i32
  }
  func.func @transform_4(%arg0: i32) -> (i32, i32) {
    %c0_i32 = arith.constant 0 : i32
    %c0_i32_0 = arith.constant 0 : i32
    %c0_i32_1 = arith.constant 0 : i32
    return %c0_i32, %c0_i32_0 : i32, i32
  }
  func.func @transform_5(%arg0: i32) -> (i32, i32) {
    %c0_i32 = arith.constant 0 : i32
    %c0_i32_0 = arith.constant 0 : i32
    %c0_i32_1 = arith.constant 0 : i32
    return %c0_i32, %c0_i32_0 : i32, i32
  }
  func.func @transform_6(%arg0: i32) -> (i32, i32) {
    %c0_i32 = arith.constant 0 : i32
    %c0_i32_0 = arith.constant 0 : i32
    return %arg0, %c0_i32 : i32, i32
  }
}

</mosaic_0001>

<sc_bundles>
// kernel: kernel.6.cloned.1.call-start
scs
__scs_entry_jumppad:
0x0: {  	(pc) =	sbr.rel $0x88, $3  }
0x1: {  	(tag) =	ssettag $0x0;
	lr =	simm.s32 $0x1  }
0x2: {  	[smem:$0x3F9A] =	sst lr;
	_ =	strace $0xD0000000  }
0x3: {  	_ = 	snop  }
0x4: {  	_ = 	snop  }
0x5: {  	_ = 	snop  }
0x6: {  	_ = 	snop  }
0x7: {  	_ = 	snop  }
__scs_overlays_trampoline_lowered:
0x8: {  	[smem:$0x3FA9] =	sst s0  }
0x9: {  	[smem:$0x3FAA] =	sst s1  }
0xa: {  	[smem:$0x3FAB] =	sst s2  }
0xb: {  	[smem:$0x3FAC] =	sst s3  }
0xc: {  	[smem:$0x3FAD] =	sst s4  }
0xd: {  	[smem:$0x3FAE] =	sst s5  }
0xe: {  	[smem:$0x3FAF] =	sst s6  }
0xf: {  	[smem:$0x3FB0] =	sst s7  }
0x10: {  	[smem:$0x3FB1] =	sst s8  }
0x11: {  	[smem:$0x3FB2] =	sst s9;
	s0 =	simm.s32 @!p0 $0x0  }
0x12: {  	s1 =	sld [smem:$0x3F98];
	s0 =	simm.s32 @p0 $0x1  }
0x13: {  	[smem:$0x3FB3] =	sst s0;
	s0 =	simm.s32 @!p1 $0x0  }
0x14: {  	s2 =	sld [smem:$0x3F97];
	s0 =	simm.s32 @p1 $0x1  }
0x15: {  	[smem:$0x3FB4] =	sst s0;
	s0 =	simm.s32 @!p2 $0x0  }
0x16: {  	s3 =	sld [smem:$0x3FDB];
	s0 =	simm.s32 @p2 $0x1  }
0x17: {  	s4 =	simm.s32 $0x1BF5;
	[smem:$0x3FB6] =	sst s0  }
0x18: {  	s0 =	sld [smem:$0x3F99];
	_ =	swait.ge [sflag:s4], $0x0  }
0x19: {  	s7 =	sld [smem:$0x3F9A]  }
0x1a: {  	s8 =	sadd.s32 $0xFFFFE003, lr  }
0x1b: {  	s9 =	sadd.s32 $0xFFFFFEF7, lr;
	s5 =	simm.s32 $0xFFFFFFFF;
	p2 =	slt.u32 s8, $0xFFFFF086  }
0x1c: {  	p1 =	slt.u32 s9, $0xF7A;
	s5 =	simm.s32 @!p2 $0x0  }
0x1d: {  	s5 =	simm.s32 @p1 $0x1;
	p0 =	seq.s32 s7, s2  }
0x1e: {  	s7 =	smul.u32 @!p0 $0xF7A, s2;
	p2 =	seq.s32 @!p0 s5, $0x0  }
0x1f: {  	s9 =	smul.u32 $0xF7A, s1;
	s8 =	simm.s32 @!p0 $0x1BF5;
	p2 =	por !p2, p0  }
0x20: {  	[sflag:s8] =	ssyncset.s32 @!p0 $0xFFFFF086;
	s6 =	sadd.s32 @!p0 s3, s7;
	s7 =	simm.s32 @!p0 $0x108  }
0x21: {  	s3 =	sadd.s32 s3, s9;
	s6 =	sadd.s32 @!p0 $0x88, s6;
	s7 =	simm.s32 @p2 $0x1082  }
0x22: {  	[simem:s7], [sflag:s8] =	dma.local @!p0 [hbm:s6], $0xF7A  }
0x23: {  	s9 =	sor.u32 $0xD0000000, s2;
	s6 =	simm.s32 $0x108;
	_ =	swait.ge @!p0 [sflag:s8], $0x0  }
0x24: {  	s3 =	sadd.s32 $0x88, s3;
	s6 =	simm.s32 @!p1 $0x1082;
	[sflag:s4] =	ssyncset.s32 $0xFFFFF086  }
0x25: {  	[simem:s6], [sflag:s4] =	dma.local [hbm:s3], $0xF7A  }
0x26: {  	[smem:$0x3F9A] =	sst s1;
	(tag) =	ssettag s2;
	_ =	strace s9  }
0x27: {  	s1 =	sld [smem:$0x3FAA]  }
0x28: {  	s2 =	sld [smem:$0x3FAB]  }
0x29: {  	s4 =	sld [smem:$0x3FAD]  }
0x2a: {  	p0 =	seq.s32 s5, $0x0;
	s5 =	sld [smem:$0x3FAE]  }
0x2b: {  	s6 =	sld [smem:$0x3FAF]  }
0x2c: {  	s7 =	sld [smem:$0x3FB0]  }
0x2d: {  	s3 =	simm.s32 $0x108;
	s8 =	sld [smem:$0x3FB1]  }
0x2e: {  	s3 =	simm.s32 @!p0 $0x1082;
	s9 =	sld [smem:$0x3FB2]  }
0x2f: {  	lr =	sadd.s32 s0, s3;
	s0 =	sld [smem:$0x3FA9]  }
0x30: {  	s3 =	sld [smem:$0x3FAC]  }
0x31: {  	[smem:$0x3FB5] =	sst s10  }
0x32: {  	s10 =	sld [smem:$0x3FB3];
	_ =	sdelay $0x3  }
0x33: {  	p0 =	seq.s32 s10, $0x1;
	s10 =	sld [smem:$0x3FB5];
	_ =	sdelay $0x3  }
0x34: {  	[smem:$0x3FB5] =	sst s10  }
0x35: {  	s10 =	sld [smem:$0x3FB4];
	_ =	sdelay $0x3  }
0x36: {  	p1 =	seq.s32 s10, $0x1;
	s10 =	sld [smem:$0x3FB5];
	_ =	sdelay $0x3  }
0x37: {  	[smem:$0x3FB5] =	sst s10  }
0x38: {  	s10 =	sld [smem:$0x3FB6]  }
0x39: {  	_ = 	snop;
	(pc) =	sbr.ind lr, $3  }
0x3a: {  	_ = 	snop  }
0x3b: {  	_ = 	snop  }
0x3c: {  	p2 =	seq.s32 s10, $0x1;
	s10 =	sld [smem:$0x3FB5]  }
0x3d: {  	_ =	shalt  }
0x3e: {  	_ =	shalt  }
0x3f: {  	_ =	shalt  }
0x40: {  	_ =	shalt  }
0x41: {  	_ =	shalt  }
0x42: {  	_ =	shalt  }
0x43: {  	_ =	shalt  }
0x44: {  	_ =	shalt  }
0x45: {  	_ =	shalt  }
0x46: {  	_ =	shalt  }
0x47: {  	_ =	shalt  }
0x48: {  	_ =	shalt  }
0x49: {  	_ =	shalt  }
0x4a: {  	_ =	shalt  }
0x4b: {  	_ =	shalt  }
0x4c: {  	_ =	shalt  }
0x4d: {  	_ =	shalt  }
0x4e: {  	_ =	shalt  }
0x4f: {  	_ =	shalt  }
0x50: {  	_ =	shalt  }
0x51: {  	_ =	shalt  }
0x52: {  	_ =	shalt  }
0x53: {  	_ =	shalt  }
0x54: {  	_ =	shalt  }
0x55: {  	_ =	shalt  }
0x56: {  	_ =	shalt  }
0x57: {  	_ =	shalt  }
0x58: {  	_ =	shalt  }
0x59: {  	_ =	shalt  }
0x5a: {  	_ =	shalt  }
0x5b: {  	_ =	shalt  }
0x5c: {  	_ =	shalt  }
0x5d: {  	_ =	shalt  }
0x5e: {  	_ =	shalt  }
0x5f: {  	_ =	shalt  }
0x60: {  	_ =	shalt  }
0x61: {  	_ =	shalt  }
0x62: {  	_ =	shalt  }
0x63: {  	_ =	shalt  }
0x64: {  	_ =	shalt  }
0x65: {  	_ =	shalt  }
0x66: {  	_ =	shalt  }
0x67: {  	_ =	shalt  }
0x68: {  	_ =	shalt  }
0x69: {  	_ =	shalt  }
0x6a: {  	_ =	shalt  }
0x6b: {  	_ =	shalt  }
0x6c: {  	_ =	shalt  }
0x6d: {  	_ =	shalt  }
0x6e: {  	_ =	shalt  }
0x6f: {  	_ =	shalt  }
0x70: {  	_ =	shalt  }
0x71: {  	_ =	shalt  }
0x72: {  	_ =	shalt  }
0x73: {  	_ =	shalt  }
0x74: {  	_ =	shalt  }
0x75: {  	_ =	shalt  }
0x76: {  	_ =	shalt  }
0x77: {  	_ =	shalt  }
0x78: {  	_ =	shalt  }
0x79: {  	_ =	shalt  }
0x7a: {  	_ =	shalt  }
0x7b: {  	_ =	shalt  }
0x7c: {  	_ =	shalt  }
0x7d: {  	_ =	shalt  }
0x7e: {  	_ =	shalt  }
0x7f: {  	_ =	shalt  }
0x80: {  	_ =	shalt  }
0x81: {  	_ =	shalt  }
0x82: {  	_ =	shalt  }
0x83: {  	_ =	shalt  }
0x84: {  	_ =	shalt  }
0x85: {  	_ =	shalt  }
0x86: {  	_ =	shalt  }
0x87: {  	_ =	shalt  }
.Lfunc_end0:
.L_simem_size_0:
called_computation_lowered:
.L_overlay_start_0:
0x88: {  	s2 =	sld [smem:$0x3FD9]  }
0x89: {  	s3 =	sld [smem:$0x3FFE];
	_ =	sdelay $0x1  }
0x8a: {  	s1 =	srdreg.scid  }
0x8b: {  	s0 =	sand.u32 $0x1, s1  }
0x8c: {  	s17 =	sshll.u32 s0, $0xA;
	s2 =	sadd.s32 s3, s2  }
0x8d: {  	s2 =	sadd.s32 s2, s17  }
0x8e: {  	[smem:$0x3FC1] =	sst s2  }
0x8f: {  	_ = 	snop  }
0x90: {  	s2 =	sld [smem:$0x3FD0];
	(tm) =	ssettm $0x1  }
0x91: {  	s18 =	sld [smem:$0x3FFB];
	_ =	sdelay $0x3  }
0x92: {  	_ =	strace s18  }
0x93: {  	s3 =	sld [smem:$0x3FFC];
	_ =	sdelay $0x3  }
0x94: {  	_ =	strace s3  }
0x95: {  	s3 =	sld [smem:$0x3FFD];
	_ =	sdelay $0x3  }
0x96: {  	_ =	strace s3  }
0x97: {  	_ =	strace $0x8FFFFFFF  }
0x98: {  	s19 =	sld [smem:$0x3FDB];
	_ =	sdelay $0x1  }
0x99: {  	s4 =	simm.s32 $_scs_section_size  }
0x9a: {  	s5 =	simm.s32 $_size__tile_overlayer_lowered;
	s6 =	simm.s32 $_tile_overlayer_lowered  }
0x9b: {  	s22 =	simm.s32 $0x1BFF;
	s21 =	sshll.u32 s6, $0x1;
	s3 =	sadd.s32 s4, s19  }
0x9c: {  	s7 =	simm.s32 $0x0;
	s20 =	sshll.u32 s5, $0x1;
	s5 =	sadd.s32 s21, s3  }
0x9d: {  	[timem:s7], [sflag:s22] =	dma.local [hbm:s5], s20  }
0x9e: {  	_ =	swait.ge [sflag:s22], s20  }
0x9f: {  	s4 =	ssub.s32 $0x0, s20;
	[sflag:s22] =	ssyncset.done $0x0  }
0xa0: {  	[sflag:s22] =	ssyncadd.s32 s4;
	_ =	sdelay $0x1  }
0xa1: {  	s23 =	simm.s32 $0x1B8B  }
0xa2: {  	_ =	swait.ge [sflag:s23], $0x1  }
0xa3: {  	[sflag:s23] =	ssyncset.done $0x0  }
0xa4: {  	s25 =	simm.s32 $0x1B8E;
	s24 =	sld [smem:$0x3FFE];
	[sflag:s23] =	ssyncadd.s32 $0xFFFFFFFF  }
0xa5: {  	s26 =	simm.s32 $execute0_lowered;
	[smem:$0x3FD2] =	sst s25  }
0xa6: {  	s5 =	sshll.u32 s26, $0x1;
	_ =	strace $0x80000046;
	[dreg:$0x1] =	wrdreg $0xFFFFFFFF  }
0xa7: {  	s28 =	simm.s32 $_size_execute0_lowered;
	s3 =	sadd.s32 s3, s5;
	[dreg:$0x0] =	wrdreg $0x0  }
0xa8: {  	s5 =	sshll.u32 s28, $0x1;
	[dreg:$0x2] =	wrdreg s3  }
0xa9: {  	[dreg:$0x3] =	wrdreg s5  }
0xaa: {  	[dreg:$0x4] =	wrdreg $0xC0  }
0xab: {  	_ =	task [dreg:s7], $0x5FFFF  }
0xac: {  	[dreg:$0x1] =	wrdreg $0xFFFFFFFF  }
0xad: {  	[dreg:$0x0] =	wrdreg $0x60  }
0xae: {  	[dreg:$0x2] =	wrdreg s24  }
0xaf: {  	[dreg:$0x3] =	wrdreg s2  }
0xb0: {  	[dreg:$0x4] =	wrdreg $0x6F000  }
0xb1: {  	[dreg:$0x5] =	wrdreg $0x1AF000  }
0xb2: {  	[dreg:$0x6] =	wrdreg $0x9  }
0xb3: {  	_ =	task.clear_ibuf [dreg:s7], $0x7FFFF;
	_ =	strace $0x90000046  }
0xb4: {  	s29 =	simm.s32 $0x9;
	_ =	strace $0x80000048  }
0xb5: {  	_ =	swait.ge [sflag:s29], $0x1  }
0xb6: {  	[sflag:s29] =	ssyncadd.s32 $0xFFFFFFFF  }
0xb7: {  	_ =	strace $0x90000048  }
0xb8: {  	_ =	sfence  }
0xb9: {  	s30 =	sld [smem:$0x0];
	_ =	sdelay $0x2  }
0xba: {  	s31 =	sshll.u32 s1, $0xD;
	s1 =	sshrl.u32 s1, $0x2  }
0xbb: {  	s3 =	sand.u32 $0x4000, s31;
	s1 =	sadd.s32 s1, s30  }
0xbc: {  	s0 =	sor.u32 s3, s0;
	s1 =	sshll.u32 s1, $0x11  }
0xbd: {  	s0 =	sor.u32 s1, s0  }
0xbe: {  	s0 =	sadd.s32 $0x8F2B, s0  }
0xbf: {  	[sflag:s0] =	ssyncadd.remote.s32 $0x1  }
0xc0: {  	_ =	sfence.sel $0xFFFF  }
0xc1: {  	[dreg:$0x0] =	wrdreg $0xFFFFFFFF;
	(pc) =	sbr.abs _section_cstart, $3  }
0xc2: {  	[dreg:$0x1] =	wrdreg $0xFFFFFFFF  }
0xc3: {  	_ =	task.clear_ibuf [dreg:s7], $0x2FFFF;
	_ =	strace $0x9FFFFFFF  }
0xc4: {  	(tm) =	ssettm $0x7FFFFFFF  }
0xc5: {  	_ =	shalt  }
tec
execute0_lowered:
.L_overlay_start_1:
0x0: {  	(tag) =	ssettag $0x1  }
0x1: {  	s1 =	rddreg [dreg:$0x0]  }
0x2: {  	s0 =	rddreg [dreg:$0x1]  }
0x3: {  	s2 =	rddreg [dreg:$0x2]  }
0x4: {  	s3 =	rddreg [dreg:$0x3];
	s16 =	stileid.u32  }
0x5: {  	s5 =	srdreg.scid;
	s6 =	smul.u32 $0x14000, s16  }
0x6: {  	s4 =	simm.s32 $0x0;
	s28 =	simm.s32 $0x1C00;
	s9 =	smul.u32 $0x280, s16  }
0x7: {  	s29 =	simm.s32 $0x3000;
	s30 =	simm.s32 $0x4400;
	s23 =	smul.u32 $0x50000, s16  }
0x8: {  	s31 =	simm.s32 $0x5800;
	s7 =	sand.u32 $0x1, s5;
	s14 =	smul.u32 $0x4E20, s16  }
0x9: {  	[smem:$0x7FF] =	sst s4;
	s5 =	sadd.s32 $0xB600, s1;
	s8 =	smul.u32 $0x140000, s7  }
0xa: {  	s10 =	sadd.s32 $0x1800, s1;
	s24 =	sshll.u32 s16, $0x6;
	s11 =	smul.u32 $0x2800, s7  }
0xb: {  	_ =	strace $0x80000047;
	s13 =	ssub.s32 $0x2, s7;
	s7 =	smul.u32 $0x2710, s7  }
0xc: {  	s15 =	sshrl.u32 s13, $0x1;
	s8 =	sadd.s32 s6, s8;
	s6 =	sshrl.u32 s6, $0x3  }
0xd: {  	s11 =	sadd.s32 s9, s11;
	s7 =	sadd.s32 s7, s14;
	s9 =	sadd.s32 s9, s3  }
0xe: {  	s8 =	sshrl.u32 s8, $0x3;
	s6 =	sadd.s32 s6, s1;
	s11 =	sshrl.u32 s11, $0x3  }
0xf: {  	s25 =	sshrl.u32 s7, $0x3;
	s14 =	sadd.s32 $0xA0, s7;
	s16 =	sadd.s32 $0x78, s7  }
0x10: {  	s20 =	sadd.s32 $0x50, s7;
	s7 =	sadd.s32 $0x28, s7;
	[dreg:$0x12] =	wrdreg s9  }
0x11: {  	s12 =	sadd.s32 s8, s1;
	s1 =	sadd.s32 s11, s1;
	s6 =	sadd.s32 $0xF5C00, s6  }
0x12: {  	s8 =	sshrl.u32 s23, $0x2;
	s26 =	sadd.s32 s25, s0;
	[dreg:$0x10] =	wrdreg s6  }
0x13: {  	s11 =	ssub.s32 s13, s15;
	s8 =	sadd.s32 s8, s2;
	[dreg:$0x5] =	wrdreg s26  }
0x14: {  	s14 =	sshrl.u32 s14, $0x3;
	s6 =	sadd.s32 s25, s10;
	[dreg:$0xf] =	wrdreg s8  }
0x15: {  	s18 =	sshrl.u32 s16, $0x3;
	s15 =	sadd.s32 s14, s0;
	[dreg:$0x6] =	wrdreg s6  }
0x16: {  	s22 =	sshrl.u32 s20, $0x3;
	s17 =	sadd.s32 s14, s10;
	[dreg:$0x7] =	wrdreg s15  }
0x17: {  	s7 =	sshrl.u32 s7, $0x3;
	s19 =	sadd.s32 s18, s0;
	[dreg:$0x8] =	wrdreg s17  }
0x18: {  	s13 =	simm.s32 $0x4;
	s21 =	sadd.s32 s18, s10;
	[dreg:$0x9] =	wrdreg s19  }
0x19: {  	s16 =	simm.s32 $0x80;
	s23 =	sadd.s32 s22, s0;
	[dreg:$0xa] =	wrdreg s21  }
0x1a: {  	s20 =	simm.s32 $0x180;
	s12 =	sadd.s32 $0x11E600, s12;
	[dreg:$0xb] =	wrdreg s23  }
0x1b: {  	s0 =	sadd.s32 s7, s0;
	s1 =	sadd.s32 $0x11DC00, s1;
	[dreg:$0x13] =	wrdreg s12  }
0x1c: {  	s25 =	sadd.s32 s7, s10;
	s26 =	smax.u32 s11, $0x1;
	[dreg:$0x14] =	wrdreg s1  }
0x1d: {  	s18 =	simm.s32 $0x100;
	s14 =	simm.s32 $0x3;
	[dreg:$0xd] =	wrdreg s0  }
0x1e: {  	s8 =	sor.u32 $0x1C04, s24;
	s24 =	sadd.s32 s22, s10;
	[dreg:$0x15] =	wrdreg s26  }
0x1f: {  	[dreg:$0xe] =	wrdreg s25;
	s15 =	simm.s32 $0x400;
	s17 =	simm.s32 $0x480  }
0x20: {  	s19 =	simm.s32 $0x500;
	s21 =	simm.s32 $0x580;
	s22 =	simm.s32 $0x200  }
0x21: {  	s23 =	simm.s32 $0x600;
	s25 =	simm.s32 $0x28;
	s26 =	simm.s32 $0x800  }
0x22: {  	s0 =	simm.s32 $0x1;
	s1 =	simm.s32 $0x6C00;
	[dreg:$0xc] =	wrdreg s24  }
0x23: {  	v0 =	vimm.f32 $1.000000000e+00;
	v1 =	vimm.f32 $0.0e+00;
	s6 =	simm.s32 $0x0;
	s24 =	simm.s32 $0x2;
	[dreg:$0x11] =	wrdreg s8  }
.LBB2_1:
0x24: {  	[tilespmem:$0x6C00] =	vst v0  }
0x25: {  	[tilespmem:$0x6C10] =	vst v0  }
0x26: {  	[tilespmem:$0x6C20] =	vst v0  }
0x27: {  	[tilespmem:$0x6C80] =	vst v1  }
0x28: {  	[tilespmem:$0x6C90] =	vst v1  }
0x29: {  	[tilespmem:$0x6CA0] =	vst v1  }
0x2a: {  	[tilespmem:$0x6CB0] =	vst v1  }
0x2b: {  	[tilespmem:$0x6CC0] =	vst v1  }
0x2c: {  	[tilespmem:$0x6CD0] =	vst v1  }
0x2d: {  	[tilespmem:$0x6CE0] =	vst v1  }
0x2e: {  	[tilespmem:$0x6CF0] =	vst v1  }
0x2f: {  	[tilespmem:$0x6D00] =	vst v1  }
0x30: {  	[tilespmem:$0x6D10] =	vst v1  }
0x31: {  	[tilespmem:$0x6D20] =	vst v1  }
0x32: {  	[tilespmem:$0x6D30] =	vst v1  }
0x33: {  	[tilespmem:$0x6D40] =	vst v1  }
0x34: {  	[tilespmem:$0x6D50] =	vst v1  }
0x35: {  	[tilespmem:$0x6D60] =	vst v1  }
0x36: {  	[tilespmem:$0x6D70] =	vst v1  }
0x37: {  	[tilespmem:$0x6D80] =	vst v1  }
0x38: {  	[tilespmem:$0x6D90] =	vst v1  }
0x39: {  	[tilespmem:$0x6DA0] =	vst v1  }
0x3a: {  	[tilespmem:$0x6DB0] =	vst v1  }
0x3b: {  	[tilespmem:$0x6DC0] =	vst v1  }
0x3c: {  	[tilespmem:$0x6DD0] =	vst v1  }
0x3d: {  	[tilespmem:$0x6DE0] =	vst v1  }
0x3e: {  	[tilespmem:$0x6DF0] =	vst v1  }
0x3f: {  	[tilespmem:$0x6E00] =	vst v1  }
0x40: {  	[tilespmem:$0x6E10] =	vst v1  }
0x41: {  	[tilespmem:$0x6E20] =	vst v1  }
0x42: {  	[tilespmem:$0x6E30] =	vst v1  }
0x43: {  	[tilespmem:$0x6E40] =	vst v1  }
0x44: {  	[tilespmem:$0x6E50] =	vst v1  }
0x45: {  	[tilespmem:$0x6E60] =	vst v1  }
0x46: {  	[tilespmem:$0x6E70] =	vst v1  }
0x47: {  	[tilespmem:$0x6E80] =	vst v1  }
0x48: {  	[tilespmem:$0x6E90] =	vst v1  }
0x49: {  	[tilespmem:$0x6EA0] =	vst v1  }
0x4a: {  	[tilespmem:$0x6EB0] =	vst v1  }
0x4b: {  	[tilespmem:$0x6EC0] =	vst v1  }
0x4c: {  	[tilespmem:$0x6ED0] =	vst v1;
	s7 =	rddreg [dreg:$0xf]  }
0x4d: {  	[tilespmem:$0x6EE0] =	vst v1;
	s12 =	rddreg [dreg:$0x10];
	s10 =	sshrl.u32 s7, $0x3  }
0x4e: {  	[tilespmem:$0x6EF0] =	vst v1;
	[dreg:$0x16] =	wrdreg s10  }
0x4f: {  	[spmem:s10], [sflag:s8] =	dma.local [hbm:s12], $0x2800  }
0x50: {  	_ =	swait.ge [sflag:s13], $0x2800  }
0x51: {  	[sflag:s13] =	ssyncset.done $0x0  }
0x52: {  	s8 =	simm.s32 $0x6C80;
	[sflag:s13] =	ssyncadd.s32 $0xFFFFD800  }
0x53: {  	[spmem:s9] =	stream.linear.scatter [tilespmem:s8], [sflag:$0x4], $0x280, $0x38;
	[tilespmem:$0x1B180] =	vst v63  }
0x54: {  	_ =	swait.ge [sflag:s13], $0x280  }
0x55: {  	[sflag:s13] =	ssyncset.done $0x0  }
0x56: {  	[sflag:s13] =	ssyncadd.s32 $0xFFFFFD80  }
0x57: {  	[bflag:$0x0] =	sbarrier.arrive $0xFFFF  }
0x58: {  	s9 =	rddreg [dreg:$0x6]  }
0x59: {  	s11 =	rddreg [dreg:$0x5];
	s10 =	sadd.s32 $0x0, s9  }
0x5a: {  	[tilespmem:s4], [sflag:$0x2] =	stream.linear.gather [hbm4b:s10+s4], $0x28, $0x38;
	[tilespmem:$0x1B180] =	vst v63  }
0x5b: {  	s12 =	rddreg [dreg:$0xe];
	s11 =	sadd.s32 $0x0, s11  }
0x5c: {  	[tilespmem:s15], [sflag:$0x2] =	stream.linear.gather [hbm4b:s11+s4], $0x28, $0x38;
	[tilespmem:$0x1B180] =	vst v63  }
0x5d: {  	s7 =	rddreg [dreg:$0xd];
	s8 =	sadd.s32 $0x0, s12  }
0x5e: {  	[tilespmem:s16], [sflag:$0x2] =	stream.linear.gather [hbm4b:s8+s4], $0x28, $0x38;
	[tilespmem:$0x1B180] =	vst v63  }
0x5f: {  	s9 =	rddreg [dreg:$0xc];
	s11 =	sadd.s32 $0x0, s7  }
0x60: {  	[tilespmem:s17], [sflag:$0x2] =	stream.linear.gather [hbm4b:s11+s4], $0x28, $0x38;
	[tilespmem:$0x1B180] =	vst v63  }
0x61: {  	s7 =	rddreg [dreg:$0xb];
	s8 =	sadd.s32 $0x0, s9  }
0x62: {  	[tilespmem:s18], [sflag:$0x2] =	stream.linear.gather [hbm4b:s8+s4], $0x28, $0x38;
	[tilespmem:$0x1B180] =	vst v63  }
0x63: {  	s9 =	rddreg [dreg:$0xa];
	s11 =	sadd.s32 $0x0, s7  }
0x64: {  	[tilespmem:s19], [sflag:$0x2] =	stream.linear.gather [hbm4b:s11+s4], $0x28, $0x38;
	[tilespmem:$0x1B180] =	vst v63  }
0x65: {  	s7 =	rddreg [dreg:$0x9];
	s8 =	sadd.s32 $0x0, s9  }
0x66: {  	[tilespmem:s20], [sflag:$0x2] =	stream.linear.gather [hbm4b:s8+s4], $0x28, $0x38;
	[tilespmem:$0x1B180] =	vst v63  }
0x67: {  	s7 =	sadd.s32 $0x0, s7;
	s9 =	rddreg [dreg:$0x8]  }
0x68: {  	[tilespmem:s21], [sflag:$0x2] =	stream.linear.gather [hbm4b:s7+s4], $0x28, $0x38;
	[tilespmem:$0x1B180] =	vst v63  }
0x69: {  	s9 =	sadd.s32 $0x0, s9;
	s8 =	rddreg [dreg:$0x7]  }
0x6a: {  	[tilespmem:s22], [sflag:$0x2] =	stream.linear.gather [hbm4b:s9+s4], $0x28, $0x38;
	[tilespmem:$0x1B180] =	vst v63  }
0x6b: {  	s12 =	sadd.s32 $0x0, s8  }
0x6c: {  	[tilespmem:s23], [sflag:$0x2] =	stream.linear.gather [hbm4b:s12+s4], $0x28, $0x38;
	[tilespmem:$0x1B180] =	vst v63  }
0x6d: {  	_ =	swait.ge [sflag:s24], $0x28  }
0x6e: {  	[sflag:s24] =	ssyncset.done $0x0  }
0x6f: {  	[sflag:s24] =	ssyncadd.s32 $0xFFFFFFD8  }
0x70: {  	_ =	swait.ge [sflag:s24], $0x28  }
0x71: {  	[sflag:s24] =	ssyncset.done $0x0  }
0x72: {  	[sflag:s24] =	ssyncadd.s32 $0xFFFFFFD8  }
0x73: {  	_ =	swait.ge [sflag:s24], $0x28  }
0x74: {  	[sflag:s24] =	ssyncset.done $0x0  }
0x75: {  	[sflag:s24] =	ssyncadd.s32 $0xFFFFFFD8  }
0x76: {  	_ =	swait.ge [sflag:s24], $0x28  }
0x77: {  	[sflag:s24] =	ssyncset.done $0x0  }
0x78: {  	[sflag:s24] =	ssyncadd.s32 $0xFFFFFFD8  }
0x79: {  	_ =	swait.ge [sflag:s24], $0x28  }
0x7a: {  	[sflag:s24] =	ssyncset.done $0x0  }
0x7b: {  	[sflag:s24] =	ssyncadd.s32 $0xFFFFFFD8  }
0x7c: {  	_ =	swait.ge [sflag:s24], $0x28  }
0x7d: {  	[sflag:s24] =	ssyncset.done $0x0  }
0x7e: {  	[sflag:s24] =	ssyncadd.s32 $0xFFFFFFD8  }
0x7f: {  	_ =	swait.ge [sflag:s24], $0x28  }
0x80: {  	[sflag:s24] =	ssyncset.done $0x0  }
0x81: {  	[sflag:s24] =	ssyncadd.s32 $0xFFFFFFD8  }
0x82: {  	_ =	swait.ge [sflag:s24], $0x28  }
0x83: {  	[sflag:s24] =	ssyncset.done $0x0  }
0x84: {  	[sflag:s24] =	ssyncadd.s32 $0xFFFFFFD8  }
0x85: {  	_ =	swait.ge [sflag:s24], $0x28  }
0x86: {  	[sflag:s24] =	ssyncset.done $0x0  }
0x87: {  	[sflag:s24] =	ssyncadd.s32 $0xFFFFFFD8  }
0x88: {  	_ =	swait.ge [sflag:s24], $0x28  }
0x89: {  	[sflag:s24] =	ssyncset.done $0x0  }
0x8a: {  	[sflag:s24] =	ssyncadd.s32 $0xFFFFFFD8  }
0x8b: {  	[tilespmem:s26], [sflag:$0x1] =	stream.indirect.gather [hbm4b:s5+s25], $0x80, s4, s25, $0xb8;
	[tilespmem:$0x1B180] =	vst v63  }
0x8c: {  	_ = 	snop  }
0x8d: {  	[tilespmem:s28], [sflag:$0x1] =	stream.indirect.gather [hbm4b:s5+s25], $0x80, s16, s25, $0xb8;
	[tilespmem:$0x1B180] =	vst v63  }
0x8e: {  	_ = 	snop  }
0x8f: {  	[tilespmem:s29], [sflag:$0x1] =	stream.indirect.gather [hbm4b:s5+s25], $0x80, s18, s25, $0xb8;
	[tilespmem:$0x1B180] =	vst v63  }
0x90: {  	_ = 	snop  }
0x91: {  	[tilespmem:s30], [sflag:$0x1] =	stream.indirect.gather [hbm4b:s5+s25], $0x80, s20, s25, $0xb8;
	[tilespmem:$0x1B180] =	vst v63  }
0x92: {  	_ = 	snop  }
0x93: {  	[tilespmem:s31], [sflag:$0x1] =	stream.indirect.gather [hbm4b:s5+s25], $0x80, s22, s25, $0xb8;
	[tilespmem:$0x1B180] =	vst v63  }
0x94: {  	_ =	swait.ge [sflag:s0], $0x1400  }
0x95: {  	[sflag:s0] =	ssyncset.done $0x0  }
0x96: {  	[sflag:s0] =	ssyncadd.s32 $0xFFFFEC00  }
0x97: {  	_ =	swait.ge [sflag:s0], $0x1400  }
0x98: {  	[sflag:s0] =	ssyncset.done $0x0  }
0x99: {  	[sflag:s0] =	ssyncadd.s32 $0xFFFFEC00  }
0x9a: {  	_ =	swait.ge [sflag:s0], $0x1400  }
0x9b: {  	[sflag:s0] =	ssyncset.done $0x0  }
0x9c: {  	[sflag:s0] =	ssyncadd.s32 $0xFFFFEC00  }
0x9d: {  	_ =	swait.ge [sflag:s0], $0x1400  }
0x9e: {  	[sflag:s0] =	ssyncset.done $0x0  }
0x9f: {  	[sflag:s0] =	ssyncadd.s32 $0xFFFFEC00  }
0xa0: {  	_ =	swait.ge [sflag:s0], $0x1400  }
0xa1: {  	[sflag:s0] =	ssyncset.done $0x0  }
0xa2: {  	[sflag:s0] =	ssyncadd.s32 $0xFFFFEC00  }
0xa3: {  	[spmem:s2] =	stream.indirect.scatter.add.f32 [tilespmem:s26], [sflag:$0x3], $0x80, s15, s25, $0xb8;
	[tilespmem:$0x1B180] =	vst v63  }
0xa4: {  	_ = 	snop  }
0xa5: {  	[spmem:s3] =	stream.indirect.scatter.add.f32 [tilespmem:s1], [sflag:$0x3], $0x1, s15, s25, $0xb8;
	[tilespmem:$0x1B180] =	vst v63  }
0xa6: {  	_ = 	snop  }
0xa7: {  	[spmem:s2] =	stream.indirect.scatter.add.f32 [tilespmem:s28], [sflag:$0x3], $0x80, s17, s25, $0xb8;
	[tilespmem:$0x1B180] =	vst v63  }
0xa8: {  	_ = 	snop  }
0xa9: {  	[spmem:s3] =	stream.indirect.scatter.add.f32 [tilespmem:s1], [sflag:$0x3], $0x1, s17, s25, $0xb8;
	[tilespmem:$0x1B180] =	vst v63  }
0xaa: {  	_ = 	snop  }
0xab: {  	[spmem:s2] =	stream.indirect.scatter.add.f32 [tilespmem:s29], [sflag:$0x3], $0x80, s19, s25, $0xb8;
	[tilespmem:$0x1B180] =	vst v63  }
0xac: {  	_ = 	snop  }
0xad: {  	[spmem:s3] =	stream.indirect.scatter.add.f32 [tilespmem:s1], [sflag:$0x3], $0x1, s19, s25, $0xb8;
	[tilespmem:$0x1B180] =	vst v63  }
0xae: {  	_ = 	snop  }
0xaf: {  	[spmem:s2] =	stream.indirect.scatter.add.f32 [tilespmem:s30], [sflag:$0x3], $0x80, s21, s25, $0xb8;
	[tilespmem:$0x1B180] =	vst v63  }
0xb0: {  	_ = 	snop  }
0xb1: {  	[spmem:s3] =	stream.indirect.scatter.add.f32 [tilespmem:s1], [sflag:$0x3], $0x1, s21, s25, $0xb8;
	[tilespmem:$0x1B180] =	vst v63  }
0xb2: {  	_ = 	snop  }
0xb3: {  	[spmem:s2] =	stream.indirect.scatter.add.f32 [tilespmem:s31], [sflag:$0x3], $0x80, s23, s25, $0xb8;
	[tilespmem:$0x1B180] =	vst v63  }
0xb4: {  	_ = 	snop  }
0xb5: {  	[spmem:s3] =	stream.indirect.scatter.add.f32 [tilespmem:s1], [sflag:$0x3], $0x1, s23, s25, $0xb8;
	[tilespmem:$0x1B180] =	vst v63  }
0xb6: {  	_ =	swait.ge [sflag:s14], $0x1400  }
0xb7: {  	[sflag:s14] =	ssyncset.done $0x0  }
0xb8: {  	[sflag:s14] =	ssyncadd.s32 $0xFFFFEC00  }
0xb9: {  	_ =	swait.ge [sflag:s14], $0x28  }
0xba: {  	[sflag:s14] =	ssyncset.done $0x0  }
0xbb: {  	[sflag:s14] =	ssyncadd.s32 $0xFFFFFFD8  }
0xbc: {  	_ =	swait.ge [sflag:s14], $0x1400  }
0xbd: {  	[sflag:s14] =	ssyncset.done $0x0  }
0xbe: {  	[sflag:s14] =	ssyncadd.s32 $0xFFFFEC00  }
0xbf: {  	_ =	swait.ge [sflag:s14], $0x28  }
0xc0: {  	[sflag:s14] =	ssyncset.done $0x0  }
0xc1: {  	[sflag:s14] =	ssyncadd.s32 $0xFFFFFFD8  }
0xc2: {  	_ =	swait.ge [sflag:s14], $0x1400  }
0xc3: {  	[sflag:s14] =	ssyncset.done $0x0  }
0xc4: {  	[sflag:s14] =	ssyncadd.s32 $0xFFFFEC00  }
0xc5: {  	_ =	swait.ge [sflag:s14], $0x28  }
0xc6: {  	[sflag:s14] =	ssyncset.done $0x0  }
0xc7: {  	[sflag:s14] =	ssyncadd.s32 $0xFFFFFFD8  }
0xc8: {  	_ =	swait.ge [sflag:s14], $0x1400  }
0xc9: {  	[sflag:s14] =	ssyncset.done $0x0  }
0xca: {  	[sflag:s14] =	ssyncadd.s32 $0xFFFFEC00  }
0xcb: {  	_ =	swait.ge [sflag:s14], $0x28  }
0xcc: {  	[sflag:s14] =	ssyncset.done $0x0  }
0xcd: {  	[sflag:s14] =	ssyncadd.s32 $0xFFFFFFD8  }
0xce: {  	_ =	swait.ge [sflag:s14], $0x1400  }
0xcf: {  	[sflag:s14] =	ssyncset.done $0x0  }
0xd0: {  	[sflag:s14] =	ssyncadd.s32 $0xFFFFEC00  }
0xd1: {  	s10 =	simm.s32 $0x19;
	_ =	swait.ge [sflag:s14], $0x28  }
0xd2: {  	s11 =	simm.s32 $0x32;
	s12 =	rddreg [dreg:$0x6];
	[sflag:s14] =	ssyncset.done $0x0  }
.LBB2_2:
0xd3: {  	[sflag:s14] =	ssyncadd.s32 $0xFFFFFFD8;
	s8 =	rddreg [dreg:$0x5];
	s12 =	sadd.s32 s10, s12  }
0xd4: {  	[tilespmem:s4], [sflag:$0x2] =	stream.linear.gather [hbm4b:s12+s4], $0x28, $0x38;
	[tilespmem:$0x1B180] =	vst v63  }
0xd5: {  	s7 =	rddreg [dreg:$0xe];
	s8 =	sadd.s32 s10, s8  }
0xd6: {  	[tilespmem:s15], [sflag:$0x2] =	stream.linear.gather [hbm4b:s8+s4], $0x28, $0x38;
	[tilespmem:$0x1B180] =	vst v63  }
0xd7: {  	s12 =	rddreg [dreg:$0xd];
	s7 =	sadd.s32 s10, s7  }
0xd8: {  	[tilespmem:s16], [sflag:$0x2] =	stream.linear.gather [hbm4b:s7+s4], $0x28, $0x38;
	[tilespmem:$0x1B180] =	vst v63  }
0xd9: {  	s8 =	rddreg [dreg:$0xc];
	s7 =	sadd.s32 s10, s12  }
0xda: {  	[tilespmem:s17], [sflag:$0x2] =	stream.linear.gather [hbm4b:s7+s4], $0x28, $0x38;
	[tilespmem:$0x1B180] =	vst v63  }
0xdb: {  	s12 =	rddreg [dreg:$0xb];
	s7 =	sadd.s32 s10, s8  }
0xdc: {  	[tilespmem:s18], [sflag:$0x2] =	stream.linear.gather [hbm4b:s7+s4], $0x28, $0x38;
	[tilespmem:$0x1B180] =	vst v63  }
0xdd: {  	s8 =	rddreg [dreg:$0xa];
	s7 =	sadd.s32 s10, s12  }
0xde: {  	[tilespmem:s19], [sflag:$0x2] =	stream.linear.gather [hbm4b:s7+s4], $0x28, $0x38;
	[tilespmem:$0x1B180] =	vst v63  }
0xdf: {  	s12 =	rddreg [dreg:$0x9];
	s7 =	sadd.s32 s10, s8  }
0xe0: {  	[tilespmem:s20], [sflag:$0x2] =	stream.linear.gather [hbm4b:s7+s4], $0x28, $0x38;
	[tilespmem:$0x1B180] =	vst v63  }
0xe1: {  	s8 =	rddreg [dreg:$0x8];
	s7 =	sadd.s32 s10, s12  }
0xe2: {  	[tilespmem:s21], [sflag:$0x2] =	stream.linear.gather [hbm4b:s7+s4], $0x28, $0x38;
	[tilespmem:$0x1B180] =	vst v63  }
0xe3: {  	s8 =	sadd.s32 s10, s8;
	s12 =	rddreg [dreg:$0x7]  }
0xe4: {  	[tilespmem:s22], [sflag:$0x2] =	stream.linear.gather [hbm4b:s8+s4], $0x28, $0x38;
	[tilespmem:$0x1B180] =	vst v63  }
0xe5: {  	s12 =	sadd.s32 s10, s12  }
0xe6: {  	[tilespmem:s23], [sflag:$0x2] =	stream.linear.gather [hbm4b:s12+s4], $0x28, $0x38;
	[tilespmem:$0x1B180] =	vst v63  }
0xe7: {  	_ =	swait.ge [sflag:s24], $0x28  }
0xe8: {  	[sflag:s24] =	ssyncset.done $0x0  }
0xe9: {  	[sflag:s24] =	ssyncadd.s32 $0xFFFFFFD8  }
0xea: {  	_ =	swait.ge [sflag:s24], $0x28  }
0xeb: {  	[sflag:s24] =	ssyncset.done $0x0  }
0xec: {  	[sflag:s24] =	ssyncadd.s32 $0xFFFFFFD8  }
0xed: {  	_ =	swait.ge [sflag:s24], $0x28  }
0xee: {  	[sflag:s24] =	ssyncset.done $0x0  }
0xef: {  	[sflag:s24] =	ssyncadd.s32 $0xFFFFFFD8  }
0xf0: {  	_ =	swait.ge [sflag:s24], $0x28  }
0xf1: {  	[sflag:s24] =	ssyncset.done $0x0  }
0xf2: {  	[sflag:s24] =	ssyncadd.s32 $0xFFFFFFD8  }
0xf3: {  	_ =	swait.ge [sflag:s24], $0x28  }
0xf4: {  	[sflag:s24] =	ssyncset.done $0x0  }
0xf5: {  	[sflag:s24] =	ssyncadd.s32 $0xFFFFFFD8  }
0xf6: {  	_ =	swait.ge [sflag:s24], $0x28  }
0xf7: {  	[sflag:s24] =	ssyncset.done $0x0  }
0xf8: {  	[sflag:s24] =	ssyncadd.s32 $0xFFFFFFD8  }
0xf9: {  	_ =	swait.ge [sflag:s24], $0x28  }
0xfa: {  	[sflag:s24] =	ssyncset.done $0x0  }
0xfb: {  	[sflag:s24] =	ssyncadd.s32 $0xFFFFFFD8  }
0xfc: {  	_ =	swait.ge [sflag:s24], $0x28  }
0xfd: {  	[sflag:s24] =	ssyncset.done $0x0  }
0xfe: {  	[sflag:s24] =	ssyncadd.s32 $0xFFFFFFD8  }
0xff: {  	_ =	swait.ge [sflag:s24], $0x28  }
0x100: {  	[sflag:s24] =	ssyncset.done $0x0  }
0x101: {  	[sflag:s24] =	ssyncadd.s32 $0xFFFFFFD8  }
0x102: {  	_ =	swait.ge [sflag:s24], $0x28  }
0x103: {  	[sflag:s24] =	ssyncset.done $0x0  }
0x104: {  	[sflag:s24] =	ssyncadd.s32 $0xFFFFFFD8  }
0x105: {  	[tilespmem:s26], [sflag:$0x1] =	stream.indirect.gather [hbm4b:s5+s25], $0x80, s4, s25, $0xb8;
	[tilespmem:$0x1B180] =	vst v63  }
0x106: {  	_ = 	snop  }
0x107: {  	[tilespmem:s28], [sflag:$0x1] =	stream.indirect.gather [hbm4b:s5+s25], $0x80, s16, s25, $0xb8;
	[tilespmem:$0x1B180] =	vst v63  }
0x108: {  	_ = 	snop  }
0x109: {  	[tilespmem:s29], [sflag:$0x1] =	stream.indirect.gather [hbm4b:s5+s25], $0x80, s18, s25, $0xb8;
	[tilespmem:$0x1B180] =	vst v63  }
0x10a: {  	_ = 	snop  }
0x10b: {  	[tilespmem:s30], [sflag:$0x1] =	stream.indirect.gather [hbm4b:s5+s25], $0x80, s20, s25, $0xb8;
	[tilespmem:$0x1B180] =	vst v63  }
0x10c: {  	_ = 	snop  }
0x10d: {  	[tilespmem:s31], [sflag:$0x1] =	stream.indirect.gather [hbm4b:s5+s25], $0x80, s22, s25, $0xb8;
	[tilespmem:$0x1B180] =	vst v63  }
0x10e: {  	_ =	swait.ge [sflag:s0], $0x1400  }
0x10f: {  	[sflag:s0] =	ssyncset.done $0x0  }
0x110: {  	[sflag:s0] =	ssyncadd.s32 $0xFFFFEC00  }
0x111: {  	_ =	swait.ge [sflag:s0], $0x1400  }
0x112: {  	[sflag:s0] =	ssyncset.done $0x0  }
0x113: {  	[sflag:s0] =	ssyncadd.s32 $0xFFFFEC00  }
0x114: {  	_ =	swait.ge [sflag:s0], $0x1400  }
0x115: {  	[sflag:s0] =	ssyncset.done $0x0  }
0x116: {  	[sflag:s0] =	ssyncadd.s32 $0xFFFFEC00  }
0x117: {  	_ =	swait.ge [sflag:s0], $0x1400  }
0x118: {  	[sflag:s0] =	ssyncset.done $0x0  }
0x119: {  	[sflag:s0] =	ssyncadd.s32 $0xFFFFEC00  }
0x11a: {  	_ =	swait.ge [sflag:s0], $0x1400  }
0x11b: {  	[sflag:s0] =	ssyncset.done $0x0  }
0x11c: {  	[sflag:s0] =	ssyncadd.s32 $0xFFFFEC00  }
0x11d: {  	[spmem:s2] =	stream.indirect.scatter.add.f32 [tilespmem:s26], [sflag:$0x3], $0x80, s15, s25, $0xb8;
	[tilespmem:$0x1B180] =	vst v63  }
0x11e: {  	_ = 	snop  }
0x11f: {  	[spmem:s3] =	stream.indirect.scatter.add.f32 [tilespmem:s1], [sflag:$0x3], $0x1, s15, s25, $0xb8;
	[tilespmem:$0x1B180] =	vst v63  }
0x120: {  	_ = 	snop  }
0x121: {  	[spmem:s2] =	stream.indirect.scatter.add.f32 [tilespmem:s28], [sflag:$0x3], $0x80, s17, s25, $0xb8;
	[tilespmem:$0x1B180] =	vst v63  }
0x122: {  	_ = 	snop  }
0x123: {  	[spmem:s3] =	stream.indirect.scatter.add.f32 [tilespmem:s1], [sflag:$0x3], $0x1, s17, s25, $0xb8;
	[tilespmem:$0x1B180] =	vst v63  }
0x124: {  	_ = 	snop  }
0x125: {  	[spmem:s2] =	stream.indirect.scatter.add.f32 [tilespmem:s29], [sflag:$0x3], $0x80, s19, s25, $0xb8;
	[tilespmem:$0x1B180] =	vst v63  }
0x126: {  	_ = 	snop  }
0x127: {  	[spmem:s3] =	stream.indirect.scatter.add.f32 [tilespmem:s1], [sflag:$0x3], $0x1, s19, s25, $0xb8;
	[tilespmem:$0x1B180] =	vst v63  }
0x128: {  	_ = 	snop  }
0x129: {  	[spmem:s2] =	stream.indirect.scatter.add.f32 [tilespmem:s30], [sflag:$0x3], $0x80, s21, s25, $0xb8;
	[tilespmem:$0x1B180] =	vst v63  }
0x12a: {  	_ = 	snop  }
0x12b: {  	[spmem:s3] =	stream.indirect.scatter.add.f32 [tilespmem:s1], [sflag:$0x3], $0x1, s21, s25, $0xb8;
	[tilespmem:$0x1B180] =	vst v63  }
0x12c: {  	_ = 	snop  }
0x12d: {  	[spmem:s2] =	stream.indirect.scatter.add.f32 [tilespmem:s31], [sflag:$0x3], $0x80, s23, s25, $0xb8;
	[tilespmem:$0x1B180] =	vst v63  }
0x12e: {  	_ = 	snop  }
0x12f: {  	[spmem:s3] =	stream.indirect.scatter.add.f32 [tilespmem:s1], [sflag:$0x3], $0x1, s23, s25, $0xb8;
	[tilespmem:$0x1B180] =	vst v63  }
0x130: {  	_ =	swait.ge [sflag:s14], $0x1400  }
0x131: {  	[sflag:s14] =	ssyncset.done $0x0  }
0x132: {  	[sflag:s14] =	ssyncadd.s32 $0xFFFFEC00  }
0x133: {  	_ =	swait.ge [sflag:s14], $0x28  }
0x134: {  	[sflag:s14] =	ssyncset.done $0x0  }
0x135: {  	[sflag:s14] =	ssyncadd.s32 $0xFFFFFFD8  }
0x136: {  	_ =	swait.ge [sflag:s14], $0x1400  }
0x137: {  	[sflag:s14] =	ssyncset.done $0x0  }
0x138: {  	[sflag:s14] =	ssyncadd.s32 $0xFFFFEC00  }
0x139: {  	_ =	swait.ge [sflag:s14], $0x28  }
0x13a: {  	[sflag:s14] =	ssyncset.done $0x0  }
0x13b: {  	[sflag:s14] =	ssyncadd.s32 $0xFFFFFFD8  }
0x13c: {  	_ =	swait.ge [sflag:s14], $0x1400  }
0x13d: {  	[sflag:s14] =	ssyncset.done $0x0  }
0x13e: {  	[sflag:s14] =	ssyncadd.s32 $0xFFFFEC00  }
0x13f: {  	_ =	swait.ge [sflag:s14], $0x28  }
0x140: {  	[sflag:s14] =	ssyncset.done $0x0  }
0x141: {  	[sflag:s14] =	ssyncadd.s32 $0xFFFFFFD8  }
0x142: {  	_ =	swait.ge [sflag:s14], $0x1400  }
0x143: {  	[sflag:s14] =	ssyncset.done $0x0  }
0x144: {  	[sflag:s14] =	ssyncadd.s32 $0xFFFFEC00  }
0x145: {  	_ =	swait.ge [sflag:s14], $0x28  }
0x146: {  	[sflag:s14] =	ssyncset.done $0x0  }
0x147: {  	p0 =	sne.s32 s11, $0x4C9;
	[sflag:s14] =	ssyncadd.s32 $0xFFFFFFD8  }
.Ltmp0:
0x148: {  	_ =	swait.ge [sflag:s14], $0x1400;
	(pc) =	sbr.rel @p0 .LBB2_2-.Ltmp0, $4  }
0x149: {  	[sflag:s14] =	ssyncset.done $0x0  }
0x14a: {  	[sflag:s14] =	ssyncadd.s32 $0xFFFFEC00  }
0x14b: {  	s9 =	smov.u32 s11;
	s11 =	sadd.s32 $0x19, s11;
	_ =	swait.ge [sflag:s14], $0x28  }
0x14c: {  	s10 =	smov.u32 s9;
	s12 =	rddreg [dreg:$0x6];
	[sflag:s14] =	ssyncset.done $0x0  }
0x14d: {  	s7 =	rddreg [dreg:$0x5];
	[sflag:s14] =	ssyncadd.s32 $0xFFFFFFD8;
	s8 =	sadd.s32 s10, s12  }
0x14e: {  	[tilespmem:s4], [sflag:$0x2] =	stream.linear.gather [hbm4b:s8+s4], $0x28, $0x38;
	[tilespmem:$0x1B180] =	vst v63  }
0x14f: {  	s9 =	rddreg [dreg:$0xe];
	s7 =	sadd.s32 s10, s7  }
0x150: {  	[tilespmem:s15], [sflag:$0x2] =	stream.linear.gather [hbm4b:s7+s4], $0x28, $0x38;
	[tilespmem:$0x1B180] =	vst v63  }
0x151: {  	s11 =	rddreg [dreg:$0xd];
	s8 =	sadd.s32 s10, s9  }
0x152: {  	[tilespmem:s16], [sflag:$0x2] =	stream.linear.gather [hbm4b:s8+s4], $0x28, $0x38;
	[tilespmem:$0x1B180] =	vst v63  }
0x153: {  	s12 =	rddreg [dreg:$0xc];
	s7 =	sadd.s32 s10, s11  }
0x154: {  	[tilespmem:s17], [sflag:$0x2] =	stream.linear.gather [hbm4b:s7+s4], $0x28, $0x38;
	[tilespmem:$0x1B180] =	vst v63  }
0x155: {  	s9 =	rddreg [dreg:$0xb];
	s8 =	sadd.s32 s10, s12  }
0x156: {  	[tilespmem:s18], [sflag:$0x2] =	stream.linear.gather [hbm4b:s8+s4], $0x28, $0x38;
	[tilespmem:$0x1B180] =	vst v63  }
0x157: {  	s11 =	rddreg [dreg:$0xa];
	s7 =	sadd.s32 s10, s9  }
0x158: {  	[tilespmem:s19], [sflag:$0x2] =	stream.linear.gather [hbm4b:s7+s4], $0x28, $0x38;
	[tilespmem:$0x1B180] =	vst v63  }
0x159: {  	s12 =	rddreg [dreg:$0x9];
	s8 =	sadd.s32 s10, s11  }
0x15a: {  	[tilespmem:s20], [sflag:$0x2] =	stream.linear.gather [hbm4b:s8+s4], $0x28, $0x38;
	[tilespmem:$0x1B180] =	vst v63  }
0x15b: {  	s9 =	rddreg [dreg:$0x8];
	s7 =	sadd.s32 s10, s12  }
0x15c: {  	[tilespmem:s21], [sflag:$0x2] =	stream.linear.gather [hbm4b:s7+s4], $0x28, $0x38;
	[tilespmem:$0x1B180] =	vst v63  }
0x15d: {  	s11 =	rddreg [dreg:$0x7];
	s8 =	sadd.s32 s10, s9  }
0x15e: {  	[tilespmem:s22], [sflag:$0x2] =	stream.linear.gather [hbm4b:s8+s4], $0x28, $0x38;
	[tilespmem:$0x1B180] =	vst v63  }
0x15f: {  	s7 =	sadd.s32 s10, s11  }
0x160: {  	[tilespmem:s23], [sflag:$0x2] =	stream.linear.gather [hbm4b:s7+s4], $0x28, $0x38;
	[tilespmem:$0x1B180] =	vst v63  }
0x161: {  	_ =	swait.ge [sflag:s24], $0x28  }
0x162: {  	[sflag:s24] =	ssyncset.done $0x0  }
0x163: {  	[sflag:s24] =	ssyncadd.s32 $0xFFFFFFD8  }
0x164: {  	_ =	swait.ge [sflag:s24], $0x28  }
0x165: {  	[sflag:s24] =	ssyncset.done $0x0  }
0x166: {  	[sflag:s24] =	ssyncadd.s32 $0xFFFFFFD8  }
0x167: {  	_ =	swait.ge [sflag:s24], $0x28  }
0x168: {  	[sflag:s24] =	ssyncset.done $0x0  }
0x169: {  	[sflag:s24] =	ssyncadd.s32 $0xFFFFFFD8  }
0x16a: {  	_ =	swait.ge [sflag:s24], $0x28  }
0x16b: {  	[sflag:s24] =	ssyncset.done $0x0  }
0x16c: {  	[sflag:s24] =	ssyncadd.s32 $0xFFFFFFD8  }
0x16d: {  	_ =	swait.ge [sflag:s24], $0x28  }
0x16e: {  	[sflag:s24] =	ssyncset.done $0x0  }
0x16f: {  	[sflag:s24] =	ssyncadd.s32 $0xFFFFFFD8  }
0x170: {  	_ =	swait.ge [sflag:s24], $0x28  }
0x171: {  	[sflag:s24] =	ssyncset.done $0x0  }
0x172: {  	[sflag:s24] =	ssyncadd.s32 $0xFFFFFFD8  }
0x173: {  	_ =	swait.ge [sflag:s24], $0x28  }
0x174: {  	[sflag:s24] =	ssyncset.done $0x0  }
0x175: {  	[sflag:s24] =	ssyncadd.s32 $0xFFFFFFD8  }
0x176: {  	_ =	swait.ge [sflag:s24], $0x28  }
0x177: {  	[sflag:s24] =	ssyncset.done $0x0  }
0x178: {  	[sflag:s24] =	ssyncadd.s32 $0xFFFFFFD8  }
0x179: {  	_ =	swait.ge [sflag:s24], $0x28  }
0x17a: {  	[sflag:s24] =	ssyncset.done $0x0  }
0x17b: {  	[sflag:s24] =	ssyncadd.s32 $0xFFFFFFD8  }
0x17c: {  	_ =	swait.ge [sflag:s24], $0x28  }
0x17d: {  	[sflag:s24] =	ssyncset.done $0x0  }
0x17e: {  	[sflag:s24] =	ssyncadd.s32 $0xFFFFFFD8  }
0x17f: {  	[tilespmem:s26], [sflag:$0x1] =	stream.indirect.gather [hbm4b:s5+s25], $0x80, s4, s25, $0xb8;
	[tilespmem:$0x1B180] =	vst v63  }
0x180: {  	_ = 	snop  }
0x181: {  	[tilespmem:s28], [sflag:$0x1] =	stream.indirect.gather [hbm4b:s5+s25], $0x80, s16, s25, $0xb8;
	[tilespmem:$0x1B180] =	vst v63  }
0x182: {  	_ = 	snop  }
0x183: {  	[tilespmem:s29], [sflag:$0x1] =	stream.indirect.gather [hbm4b:s5+s25], $0x80, s18, s25, $0xb8;
	[tilespmem:$0x1B180] =	vst v63  }
0x184: {  	_ = 	snop  }
0x185: {  	[tilespmem:s30], [sflag:$0x1] =	stream.indirect.gather [hbm4b:s5+s25], $0x80, s20, s25, $0xb8;
	[tilespmem:$0x1B180] =	vst v63  }
0x186: {  	_ = 	snop  }
0x187: {  	[tilespmem:s31], [sflag:$0x1] =	stream.indirect.gather [hbm4b:s5+s25], $0x80, s22, s25, $0xb8;
	[tilespmem:$0x1B180] =	vst v63  }
0x188: {  	_ =	swait.ge [sflag:s0], $0x1400  }
0x189: {  	[sflag:s0] =	ssyncset.done $0x0  }
0x18a: {  	[sflag:s0] =	ssyncadd.s32 $0xFFFFEC00  }
0x18b: {  	_ =	swait.ge [sflag:s0], $0x1400  }
0x18c: {  	[sflag:s0] =	ssyncset.done $0x0  }
0x18d: {  	[sflag:s0] =	ssyncadd.s32 $0xFFFFEC00  }
0x18e: {  	_ =	swait.ge [sflag:s0], $0x1400  }
0x18f: {  	[sflag:s0] =	ssyncset.done $0x0  }
0x190: {  	[sflag:s0] =	ssyncadd.s32 $0xFFFFEC00  }
0x191: {  	_ =	swait.ge [sflag:s0], $0x1400  }
0x192: {  	[sflag:s0] =	ssyncset.done $0x0  }
0x193: {  	[sflag:s0] =	ssyncadd.s32 $0xFFFFEC00  }
0x194: {  	_ =	swait.ge [sflag:s0], $0x1400  }
0x195: {  	[sflag:s0] =	ssyncset.done $0x0  }
0x196: {  	[sflag:s0] =	ssyncadd.s32 $0xFFFFEC00  }
0x197: {  	[spmem:s2] =	stream.indirect.scatter.add.f32 [tilespmem:s26], [sflag:$0x3], $0x80, s15, s25, $0xb8;
	[tilespmem:$0x1B180] =	vst v63  }
0x198: {  	_ = 	snop  }
0x199: {  	[spmem:s3] =	stream.indirect.scatter.add.f32 [tilespmem:s1], [sflag:$0x3], $0x1, s15, s25, $0xb8;
	[tilespmem:$0x1B180] =	vst v63  }
0x19a: {  	_ = 	snop  }
0x19b: {  	[spmem:s2] =	stream.indirect.scatter.add.f32 [tilespmem:s28], [sflag:$0x3], $0x80, s17, s25, $0xb8;
	[tilespmem:$0x1B180] =	vst v63  }
0x19c: {  	_ = 	snop  }
0x19d: {  	[spmem:s3] =	stream.indirect.scatter.add.f32 [tilespmem:s1], [sflag:$0x3], $0x1, s17, s25, $0xb8;
	[tilespmem:$0x1B180] =	vst v63  }
0x19e: {  	_ = 	snop  }
0x19f: {  	[spmem:s2] =	stream.indirect.scatter.add.f32 [tilespmem:s29], [sflag:$0x3], $0x80, s19, s25, $0xb8;
	[tilespmem:$0x1B180] =	vst v63  }
0x1a0: {  	_ = 	snop  }
0x1a1: {  	[spmem:s3] =	stream.indirect.scatter.add.f32 [tilespmem:s1], [sflag:$0x3], $0x1, s19, s25, $0xb8;
	[tilespmem:$0x1B180] =	vst v63  }
0x1a2: {  	_ = 	snop  }
0x1a3: {  	[spmem:s2] =	stream.indirect.scatter.add.f32 [tilespmem:s30], [sflag:$0x3], $0x80, s21, s25, $0xb8;
	[tilespmem:$0x1B180] =	vst v63  }
0x1a4: {  	_ = 	snop  }
0x1a5: {  	[spmem:s3] =	stream.indirect.scatter.add.f32 [tilespmem:s1], [sflag:$0x3], $0x1, s21, s25, $0xb8;
	[tilespmem:$0x1B180] =	vst v63  }
0x1a6: {  	_ = 	snop  }
0x1a7: {  	[spmem:s2] =	stream.indirect.scatter.add.f32 [tilespmem:s31], [sflag:$0x3], $0x80, s23, s25, $0xb8;
	[tilespmem:$0x1B180] =	vst v63  }
0x1a8: {  	_ = 	snop  }
0x1a9: {  	[spmem:s3] =	stream.indirect.scatter.add.f32 [tilespmem:s1], [sflag:$0x3], $0x1, s23, s25, $0xb8;
	[tilespmem:$0x1B180] =	vst v63  }
0x1aa: {  	_ =	swait.ge [sflag:s14], $0x1400  }
0x1ab: {  	[sflag:s14] =	ssyncset.done $0x0  }
0x1ac: {  	[sflag:s14] =	ssyncadd.s32 $0xFFFFEC00  }
0x1ad: {  	_ =	swait.ge [sflag:s14], $0x28  }
0x1ae: {  	[sflag:s14] =	ssyncset.done $0x0  }
0x1af: {  	[sflag:s14] =	ssyncadd.s32 $0xFFFFFFD8  }
0x1b0: {  	_ =	swait.ge [sflag:s14], $0x1400  }
0x1b1: {  	[sflag:s14] =	ssyncset.done $0x0  }
0x1b2: {  	[sflag:s14] =	ssyncadd.s32 $0xFFFFEC00  }
0x1b3: {  	_ =	swait.ge [sflag:s14], $0x28  }
0x1b4: {  	[sflag:s14] =	ssyncset.done $0x0  }
0x1b5: {  	[sflag:s14] =	ssyncadd.s32 $0xFFFFFFD8  }
0x1b6: {  	_ =	swait.ge [sflag:s14], $0x1400  }
0x1b7: {  	[sflag:s14] =	ssyncset.done $0x0  }
0x1b8: {  	[sflag:s14] =	ssyncadd.s32 $0xFFFFEC00  }
0x1b9: {  	_ =	swait.ge [sflag:s14], $0x28  }
0x1ba: {  	[sflag:s14] =	ssyncset.done $0x0  }
0x1bb: {  	[sflag:s14] =	ssyncadd.s32 $0xFFFFFFD8  }
0x1bc: {  	_ =	swait.ge [sflag:s14], $0x1400  }
0x1bd: {  	[sflag:s14] =	ssyncset.done $0x0  }
0x1be: {  	[sflag:s14] =	ssyncadd.s32 $0xFFFFEC00  }
0x1bf: {  	_ =	swait.ge [sflag:s14], $0x28  }
0x1c0: {  	[sflag:s14] =	ssyncset.done $0x0  }
0x1c1: {  	[sflag:s14] =	ssyncadd.s32 $0xFFFFFFD8  }
0x1c2: {  	_ =	swait.ge [sflag:s14], $0x1400  }
0x1c3: {  	[sflag:s14] =	ssyncset.done $0x0  }
0x1c4: {  	[sflag:s14] =	ssyncadd.s32 $0xFFFFEC00  }
0x1c5: {  	_ =	swait.ge [sflag:s14], $0x28  }
0x1c6: {  	[sflag:s14] =	ssyncset.done $0x0  }
0x1c7: {  	[sflag:s14] =	ssyncadd.s32 $0xFFFFFFD8  }
0x1c8: {  	[bflag:$0x0] =	sbarrier.arrive $0xFFFF  }
0x1c9: {  	s8 =	rddreg [dreg:$0x11]  }
0x1ca: {  	s12 =	rddreg [dreg:$0x13]  }
0x1cb: {  	s9 =	rddreg [dreg:$0x16]  }
0x1cc: {  	[hbm:s12], [sflag:s8] =	dma.local [spmem:s9], $0x2800  }
0x1cd: {  	_ =	swait.ge [sflag:s13], $0x2800  }
0x1ce: {  	[sflag:s13] =	ssyncset.done $0x0;
	s9 =	rddreg [dreg:$0x12]  }
0x1cf: {  	s11 =	rddreg [dreg:$0x14];
	[sflag:s13] =	ssyncadd.s32 $0xFFFFD800;
	s10 =	sshrl.u32 s9, $0x3  }
0x1d0: {  	[hbm:s11], [sflag:s8] =	dma.local [spmem:s10], $0x50  }
0x1d1: {  	_ =	swait.ge [sflag:s13], $0x50  }
0x1d2: {  	s6 =	sadd.s32 $0x1, s6;
	s12 =	rddreg [dreg:$0x15]  }
0x1d3: {  	p0 =	sne.s32 s6, s12  }
.Ltmp1:
0x1d4: {  	_ = 	snop;
	(pc) =	sbr.rel @p0 .LBB2_1-.Ltmp1, $3  }
0x1d5: {  	_ =	sdelay $0x1  }
0x1d6: {  	[sflag:s13] =	ssyncset.done $0x0  }
0x1d7: {  	[sflag:s13] =	ssyncadd.s32 $0xFFFFFFB0  }
0x1d8: {  	_ =	sfence.sel $0x180000  }
0x1d9: {  	[bflag:$0x0] =	sbarrier.arrive $0xFFFF  }
0x1da: {  	_ =	strace $0x90000047  }
0x1db: {  	s0 =	stileid.u32;
	[bflag:$0x2] =	sbarrier.arrive $0xFFFF  }
0x1dc: {  	p0 =	sne.s32 s0, $0x0;
	s0 =	rddreg [dreg:$0x4]  }
0x1dd: {  	s0 =	sadd.s32 @!p0 $0x100000, s0  }
0x1de: {  	[sflag:s0] =	ssyncadd.tile.s32 @!p0 $0x1;
	_ =	shalt  }
.Lfunc_end2:
_tile_overlayer_lowered:
.L_overlay_start_2:
0x1df: {  	(tag) =	ssettag $0x2  }
0x1e0: {  	s0 =	rddreg [dreg:$0x0];
	s2 =	stileid.u32  }
0x1e1: {  	s1 =	rddreg [dreg:$0x1];
	p0 =	sne.s32 s2, $0x0  }
0x1e2: {  	s3 =	rddreg [dreg:$0x2];
	[bflag:$0x3] =	sbarrier.arrive $0xFFFF;
	s2 =	simm.s32 @!p0 $0x1C04  }
0x1e3: {  	[timem:s3], [sflag:s2] =	dma.local @!p0 [hbm:s0], s1  }
0x1e4: {  	s0 =	simm.s32 @!p0 $0x4  }
0x1e5: {  	_ =	swait.ge @!p0 [sflag:s0], s1  }
0x1e6: {  	s1 =	ssub.s32 @!p0 $0x0, s1;
	[sflag:s0] =	ssyncset.done @!p0 $0x0  }
0x1e7: {  	[sflag:s0] =	ssyncadd.s32 @!p0 s1  }
0x1e8: {  	[bflag:$0x3] =	sbarrier.arrive $0xFFFF  }
0x1e9: {  	_ =	shalt  }

</sc_bundles>
